<compile_context>
chip_gen: v7x
topology: tpu7x:2x2x1
jax: 0.10.2.dev20260603
libtpu: 0.0.44.dev20260713+nightly
codegen_flags: <defaults>
</compile_context>

<pallas_src>
import functools
import jax
import jax.numpy as jnp
from jax import lax
from jax.experimental import pallas as pl
from jax.experimental.pallas import tpu as pltpu
from jax.experimental.pallas import tpu_sc as plsc

_B, _N, _D, _H, _G = 1, 2048, 1024, 16, 16
_DH = _D // _H
_TQ = 256
_TK = 256
_QT = _N // _TQ
_KT = _N // _TK


def _make_sc_move(n_rows, n_cols, dtype, scatter):
  info = plsc.get_sparse_core_info()
  nw = info.num_cores * info.num_subcores
  rows_per_w = n_rows // nw

  mesh = plsc.VectorSubcoreMesh(core_axis_name="c", subcore_axis_name="s")

  @functools.partial(
      pl.kernel,
      out_type=jax.ShapeDtypeStruct((n_rows, n_cols), dtype),
      mesh=mesh,
      scratch_types=[
          pltpu.VMEM((rows_per_w,), jnp.int32),
          pltpu.VMEM((rows_per_w, n_cols), dtype),
          pltpu.SemaphoreType.DMA,
      ],
  )
  def move_kernel(table_hbm, idx_hbm, out_hbm, idx_v, rows_v, sem):
    wid = lax.axis_index("s") * info.num_cores + lax.axis_index("c")
    base = wid * rows_per_w
    pltpu.sync_copy(idx_hbm.at[pl.ds(base, rows_per_w)], idx_v)
    if scatter:
      pltpu.sync_copy(table_hbm.at[pl.ds(base, rows_per_w)], rows_v)
      pltpu.async_copy(rows_v, out_hbm.at[idx_v], sem).wait()
    else:
      pltpu.async_copy(table_hbm.at[idx_v], rows_v, sem).wait()
      pltpu.sync_copy(rows_v, out_hbm.at[pl.ds(base, rows_per_w)])

  return move_kernel


_sc_cache = {}


def _sc_gather(table, idx):
  if "g" not in _sc_cache:
    _sc_cache["g"] = _make_sc_move(_N, _D, jnp.float32, scatter=False)
  return _sc_cache["g"](table, idx)


def _sc_scatter(table, idx):
  if "s" not in _sc_cache:
    _sc_cache["s"] = _make_sc_move(_N, _D, jnp.float32, scatter=True)
  return _sc_cache["s"](table, idx)


def _prep_body(bidr_ref, bidc_ref, pos_ref, scol_ref, srow_ref,
               klo_ref, khi_ref):
  bid_r = bidr_ref[...]
  bid_c = bidc_ref[...]
  iota_r = lax.broadcasted_iota(jnp.int32, (1, _N), 1)
  iota_c = lax.broadcasted_iota(jnp.int32, (_N, 1), 0)
  key_r = bid_r * _N + iota_r
  key_c = bid_c * _N + iota_c

  acc = jnp.zeros((1, _N), jnp.int32)
  for t in range(_QT):
    kc = key_c[t * _TQ:(t + 1) * _TQ, :]
    cmp = (kc < key_r).astype(jnp.int32)
    acc = acc + jnp.sum(cmp, axis=0, keepdims=True)
  pos_ref[...] = acc

  g_r = lax.broadcasted_iota(jnp.int32, (1, _G), 1)
  g_c = lax.broadcasted_iota(jnp.int32, (_G, 1), 0)
  cume_r = jnp.sum((bid_c < g_r).astype(jnp.int32), axis=0, keepdims=True)
  cume_c = jnp.sum((bid_r < g_c).astype(jnp.int32), axis=1, keepdims=True)

  srow_ref[...] = jnp.sum((cume_c <= iota_r).astype(jnp.int32), axis=0,
                          keepdims=True) - 1
  scol_ref[...] = jnp.sum((cume_r <= iota_c).astype(jnp.int32), axis=1,
                          keepdims=True) - 1

  pb_r = lax.broadcasted_iota(jnp.int32, (1, _KT), 1) * _TK
  qb_c = lax.broadcasted_iota(jnp.int32, (_QT, 1), 0) * _TQ
  kmin_r = jnp.sum((cume_c <= pb_r).astype(jnp.int32), axis=0,
                   keepdims=True) - 1
  kmax_r = jnp.sum((cume_c <= pb_r + (_TK - 1)).astype(jnp.int32), axis=0,
                   keepdims=True) - 1
  qmin_c = jnp.sum((cume_r <= qb_c).astype(jnp.int32), axis=1,
                   keepdims=True) - 1
  qmax_c = jnp.sum((cume_r <= qb_c + (_TQ - 1)).astype(jnp.int32), axis=1,
                   keepdims=True) - 1
  klo_ref[...] = jnp.sum((kmax_r < qmin_c).astype(jnp.int32), axis=1,
                         keepdims=True)
  khi_ref[...] = _KT - jnp.sum((kmin_r > qmax_c).astype(jnp.int32), axis=1,
                               keepdims=True)


def _prep(bid_row, bid_col):
  full = lambda shape: pl.BlockSpec(shape, lambda: tuple(0 for _ in shape))
  return pl.pallas_call(
      _prep_body,
      in_specs=[full((1, _N)), full((_N, 1))],
      out_specs=(full((1, _N)), full((_N, 1)), full((1, _N)),
                 full((_QT, 1)), full((_QT, 1))),
      out_shape=(jax.ShapeDtypeStruct((1, _N), jnp.int32),
                 jax.ShapeDtypeStruct((_N, 1), jnp.int32),
                 jax.ShapeDtypeStruct((1, _N), jnp.int32),
                 jax.ShapeDtypeStruct((_QT, 1), jnp.int32),
                 jax.ShapeDtypeStruct((_QT, 1), jnp.int32)),
  )(bid_row, bid_col)


def _qkv_body(x_ref, wq_ref, wk_ref, wv_ref, o_ref):
  x = x_ref[...].astype(jnp.bfloat16)
  o_ref[:, 0:_D] = jnp.dot(x, wq_ref[...],
                           preferred_element_type=jnp.float32).astype(
                               jnp.bfloat16)
  o_ref[:, _D:2 * _D] = jnp.dot(x, wk_ref[...],
                                preferred_element_type=jnp.float32).astype(
                                    jnp.bfloat16)
  o_ref[:, 2 * _D:3 * _D] = jnp.dot(x, wv_ref[...],
                                    preferred_element_type=jnp.float32).astype(
                                        jnp.bfloat16)


def _qkv_proj(x_s, wq_b, wk_b, wv_b, tile_m=256):
  grid = (_N // tile_m,)
  wspec = pl.BlockSpec((_D, _D), lambda i: (0, 0))
  return pl.pallas_call(
      _qkv_body,
      grid=grid,
      in_specs=[pl.BlockSpec((tile_m, _D), lambda i: (i, 0)),
                wspec, wspec, wspec],
      out_specs=pl.BlockSpec((tile_m, 3 * _D), lambda i: (i, 0)),
      out_shape=jax.ShapeDtypeStruct((_N, 3 * _D), jnp.bfloat16),
  )(x_s, wq_b, wk_b, wv_b)


def _flash_body(klo_ref, khi_ref, q_ref, k_ref, v_ref, bq_ref, bk_ref, wo_ref,
                o_ref):
  t = pl.program_id(0)
  lo = klo_ref[t, 0]
  hi = khi_ref[t, 0]
  bq = bq_ref[...]
  scale = jnp.float32(1.0 / (_DH ** 0.5))

  qs = [q_ref[:, h * _DH:(h + 1) * _DH] for h in range(_H)]

  def body(j, carry):
    kk = k_ref[pl.ds(j * _TK, _TK), :]
    vv = v_ref[pl.ds(j * _TK, _TK), :]
    bk = bk_ref[:, pl.ds(j * _TK, _TK)]
    neg = jnp.where(bq == bk, 0.0, -1e9)
    new = []
    for h in range(_H):
      l, acc = carry[h]
      kh = kk[:, h * _DH:(h + 1) * _DH]
      s = lax.dot_general(qs[h], kh, (((1,), (1,)), ((), ())),
                          preferred_element_type=jnp.float32)
      p = jnp.exp(s * scale + neg)
      l_new = l + jnp.sum(p, axis=1, keepdims=True)
      vh = vv[:, h * _DH:(h + 1) * _DH]
      acc_new = acc + jnp.dot(p.astype(jnp.bfloat16), vh,
                              preferred_element_type=jnp.float32)
      new.append((l_new, acc_new))
    return tuple(new)

  init = tuple((jnp.zeros((_TQ, 1), jnp.float32),
                jnp.zeros((_TQ, _DH), jnp.float32)) for _ in range(_H))
  final = lax.fori_loop(lo, hi, body, init)
  normed = jnp.concatenate(
      [(acc / l).astype(jnp.bfloat16) for (l, acc) in final], axis=1)
  o_ref[...] = jnp.dot(normed, wo_ref[...], preferred_element_type=jnp.float32)


def _flash_attn(qkv, bid_col, bid_row, wo_b, klo, khi):
  grid_spec = pltpu.PrefetchScalarGridSpec(
      num_scalar_prefetch=2,
      grid=(_QT,),
      in_specs=[
          pl.BlockSpec((_TQ, _D), lambda t, klo, khi: (t, 0)),
          pl.BlockSpec((_N, _D), lambda t, klo, khi: (0, 1)),
          pl.BlockSpec((_N, _D), lambda t, klo, khi: (0, 2)),
          pl.BlockSpec((_TQ, 1), lambda t, klo, khi: (t, 0)),
          pl.BlockSpec((1, _N), lambda t, klo, khi: (0, 0)),
          pl.BlockSpec((_D, _D), lambda t, klo, khi: (0, 0)),
      ],
      out_specs=pl.BlockSpec((_TQ, _D), lambda t, klo, khi: (t, 0)),
  )
  return pl.pallas_call(
      _flash_body,
      grid_spec=grid_spec,
      out_shape=jax.ShapeDtypeStruct((_N, _D), jnp.float32),
      compiler_params=pltpu.CompilerParams(
          dimension_semantics=("arbitrary",)),
  )(klo, khi, qkv, qkv, qkv, bid_col, bid_row, wo_b)


def kernel(x, block_ids, Wq, Wk, Wv, Wo):
  bid = block_ids.astype(jnp.int32)
  bid_row = bid.reshape(1, _N)
  bid_col = bid.reshape(_N, 1)

  pos, s_col, s_row, klo, khi = _prep(bid_row, bid_col)
  pos1d = pos.reshape(_N)

  x_s = _sc_scatter(x.reshape(_N, _D), pos1d)

  qkv = _qkv_proj(x_s, Wq.astype(jnp.bfloat16), Wk.astype(jnp.bfloat16),
                  Wv.astype(jnp.bfloat16))

  y_s = _flash_attn(qkv, s_col, s_row, Wo.astype(jnp.bfloat16), klo, khi)

  y = _sc_gather(y_s, pos1d)
  return y.reshape(_B, _N, _D)

# --- scband reference (transcript-rebuilt; emitter-appended) ---
"""Pipeline reference for scband-node-gtransformer-blocks-43181601194865 (READ-ONLY COPY).

The authoritative reference and input builder live on the scoring server;
editing this copy changes nothing except your own understanding.
"""

import jax, jax.numpy as jnp
import numpy as np

B, N, D, H, G = 1, 2048, 1024, 16, 16

def setup_inputs(seed: int = 0) -> dict:
    key = jax.random.key(seed)
    ks = jax.random.split(key, 6)
    x = jax.random.normal(ks[0], (B, N, D), dtype=jnp.float32)
    block_ids = jax.random.randint(ks[1], (N,), 0, G, dtype=jnp.int64) if jax.config.jax_enable_x64 else jax.random.randint(ks[1], (N,), 0, G, dtype=jnp.int32)
    scale = 1.0 / np.sqrt(D)
    Wq = jax.random.normal(ks[2], (D, D), dtype=jnp.float32) * scale
    Wk = jax.random.normal(ks[3], (D, D), dtype=jnp.float32) * scale
    Wv = jax.random.normal(ks[4], (D, D), dtype=jnp.float32) * scale
    Wo = jax.random.normal(ks[5], (D, D), dtype=jnp.float32) * scale
    return {"x": x, "block_ids": block_ids, "Wq": Wq, "Wk": Wk, "Wv": Wv, "Wo": Wo}

def reference(x, block_ids, Wq, Wk, Wv, Wo):
    # Faithful JAX translation of BlockSparseSelfAttention.call
    # blockB (one-hot block assignment [N, G]) is derived from block_ids,
    # matching the shared (rank-2) block_onehot path of the original layer.
    dh = D // H
    q = x @ Wq
    k = x @ Wk
    v = x @ Wv
    def split_heads(t):
        return jnp.transpose(t.reshape(B, N, H, dh), (0, 2, 1, 3))
    qh, kh, vh = split_heads(q), split_heads(k), split_heads(v)
    scores = jnp.einsum('bhnd,bhmd->bhnm', qh, kh) / jnp.sqrt(jnp.asarray(dh, jnp.float32))
    blockB = jax.nn.one_hot(block_ids, G, dtype=jnp.float32)  # [N, G]
    block_same = blockB @ blockB.T                             # [N, N]
    block_bias = (1.0 - block_same) * -1e9
    scores = scores + block_bias[None, None, :, :]
    weights = jax.nn.softmax(scores, axis=-1)
    out = jnp.einsum('bhnm,bhmd->bhnd', weights, vh)
    out = jnp.transpose(out, (0, 2, 1, 3)).reshape(B, N, D)
    return out @ Wo

if __name__ == "__main__":
    import jax
    _d = setup_inputs()
    print(jax.jit(kernel)(*tuple(_d.values())))

</pallas_src>

<mosaic_0001>
#map = affine_map<(d0, d1) -> (0, 0)>
#map1 = affine_map<(d0, d1) -> (0)>
module attributes {stable_mosaic.version = 14 : i64} {
  func.func @move_kernel(%arg0: i32, %arg1: i32, %arg2: memref<2048x1024xf32, #tpu.memory_space<hbm>>, %arg3: memref<2048xi32, #tpu.memory_space<hbm>>, %arg4: memref<2048x1024xf32, #tpu.memory_space<hbm>>, %arg5: memref<64xi32, #tpu.memory_space<vmem>>, %arg6: memref<64x1024xf32, #tpu.memory_space<vmem>>, %arg7: memref<!tpu.dma_semaphore, #tpu.memory_space<semaphore_mem>>) attributes {dimension_semantics = [#tpu.dimension_semantics<core_parallel>, #tpu.dimension_semantics<subcore_parallel>], iteration_bounds = array<i64: 2, 16>, scalar_prefetch = 0 : i64, scratch_operands = 3 : i64, tpu.core_type = #tpu.core_type<sc_vector_subcore>, window_params = [{transform_indices = #map}, {transform_indices = #map1}, {transform_indices = #map}]} {
    %mul3A = arith.constant 2 : i32
    %mul3A_0 = arith.muli %arg1, %mul3A : i32
    %add3A = arith.addi %mul3A_0, %arg0 : i32
    %mul3A_1 = arith.constant 64 : i32
    %mul3A_2 = arith.muli %add3A, %mul3A_1 : i32
    "tpu.region"() ({
      %run_scoped3A = tpu.sem_alloc : memref<!tpu.dma_semaphore, #tpu.memory_space<semaphore_mem>>
      %dma_start3A_7 = tpu.memref_slice %arg3[%mul3A_2] : memref<2048xi32, #tpu.memory_space<hbm>> -> memref<64xi32, #tpu.memory_space<hbm>>
      %dma_start3A_8 = tpu.memref_slice %arg3[%mul3A_2] : memref<2048xi32, #tpu.memory_space<hbm>> -> memref<64xi32, #tpu.memory_space<hbm>>
      tpu.enqueue_dma source(%dma_start3A_8 : memref<64xi32, #tpu.memory_space<hbm>>) target(%arg5 : memref<64xi32, #tpu.memory_space<vmem>>) target_semaphore(%run_scoped3A : memref<!tpu.dma_semaphore, #tpu.memory_space<semaphore_mem>>)
      %dma_wait3A_9 = tpu.memref_slice %arg3[%mul3A_2] : memref<2048xi32, #tpu.memory_space<hbm>> -> memref<64xi32, #tpu.memory_space<hbm>>
      %dma_wait3A_10 = tpu.memref_slice %arg3[%mul3A_2] : memref<2048xi32, #tpu.memory_space<hbm>> -> memref<64xi32, #tpu.memory_space<hbm>>
      tpu.wait_dma2 semaphore(%run_scoped3A : memref<!tpu.dma_semaphore, #tpu.memory_space<semaphore_mem>>) src(%dma_wait3A_10 : memref<64xi32, #tpu.memory_space<hbm>>) dst(%arg5 : memref<64xi32, #tpu.memory_space<vmem>>)
      tpu.yield
    }) : () -> ()
    "tpu.region"() ({
      %run_scoped3A = tpu.sem_alloc : memref<!tpu.dma_semaphore, #tpu.memory_space<semaphore_mem>>
      %dma_start3A_7 = arith.constant 0 : i32
      %dma_start3A_8 = tpu.memref_slice %arg2[%mul3A_2, %dma_start3A_7] : memref<2048x1024xf32, #tpu.memory_space<hbm>> -> memref<64x1024xf32, #tpu.memory_space<hbm>>
      %dma_start3A_9 = arith.constant 0 : i32
      %dma_start3A_10 = tpu.memref_slice %arg2[%mul3A_2, %dma_start3A_9] : memref<2048x1024xf32, #tpu.memory_space<hbm>> -> memref<64x1024xf32, #tpu.memory_space<hbm>>
      tpu.enqueue_dma source(%dma_start3A_10 : memref<64x1024xf32, #tpu.memory_space<hbm>>) target(%arg6 : memref<64x1024xf32, #tpu.memory_space<vmem>>) target_semaphore(%run_scoped3A : memref<!tpu.dma_semaphore, #tpu.memory_space<semaphore_mem>>)
      %dma_wait3A_11 = arith.constant 0 : i32
      %dma_wait3A_12 = tpu.memref_slice %arg2[%mul3A_2, %dma_wait3A_11] : memref<2048x1024xf32, #tpu.memory_space<hbm>> -> memref<64x1024xf32, #tpu.memory_space<hbm>>
      %dma_wait3A_13 = arith.constant 0 : i32
      %dma_wait3A_14 = tpu.memref_slice %arg2[%mul3A_2, %dma_wait3A_13] : memref<2048x1024xf32, #tpu.memory_space<hbm>> -> memref<64x1024xf32, #tpu.memory_space<hbm>>
      tpu.wait_dma2 semaphore(%run_scoped3A : memref<!tpu.dma_semaphore, #tpu.memory_space<semaphore_mem>>) src(%dma_wait3A_14 : memref<64x1024xf32, #tpu.memory_space<hbm>>) dst(%arg6 : memref<64x1024xf32, #tpu.memory_space<vmem>>)
      tpu.yield
    }) : () -> ()
    %dma_start3A = arith.constant 0 : i32
    %dma_start3A_3 = arith.constant 0 : i32
    %dma_start3A_4 = tpu.memref_slice %arg4[%dma_start3A, %dma_start3A_3] : memref<2048x1024xf32, #tpu.memory_space<hbm>> -> memref<2048x1024xf32, #tpu.memory_space<hbm>>
    tpu.enqueue_indirect_dma source(%arg6 : memref<64x1024xf32, #tpu.memory_space<vmem>>) target(%dma_start3A_4 : memref<2048x1024xf32, #tpu.memory_space<hbm>>) offsets(%arg5 : memref<64xi32, #tpu.memory_space<vmem>>) semaphore(%arg7 : memref<!tpu.dma_semaphore, #tpu.memory_space<semaphore_mem>>)
    %dma_wait3A = arith.constant 0 : i32
    %dma_wait3A_5 = arith.constant 0 : i32
    %dma_wait3A_6 = tpu.memref_slice %arg4[%dma_wait3A, %dma_wait3A_5] : memref<2048x1024xf32, #tpu.memory_space<hbm>> -> memref<2048x1024xf32, #tpu.memory_space<hbm>>
    tpu.wait_indirect_dma semaphore(%arg7 : memref<!tpu.dma_semaphore, #tpu.memory_space<semaphore_mem>>) src(%arg6 : memref<64x1024xf32, #tpu.memory_space<vmem>>) dst(%dma_wait3A_6 : memref<2048x1024xf32, #tpu.memory_space<hbm>>)
    return
  }
}

#map = affine_map<(d0, d1) -> (0, 0)>
#map1 = affine_map<(d0, d1) -> (0)>
module attributes {stable_mosaic.version = 14 : i64} {
  func.func @move_kernel(%arg0: i32, %arg1: i32, %arg2: memref<2048x1024xf32, #tpu.memory_space<hbm>>, %arg3: memref<2048xi32, #tpu.memory_space<hbm>>, %arg4: memref<2048x1024xf32, #tpu.memory_space<hbm>>, %arg5: memref<64xi32, #tpu.memory_space<vmem>>, %arg6: memref<64x1024xf32, #tpu.memory_space<vmem>>, %arg7: memref<!tpu.dma_semaphore, #tpu.memory_space<semaphore_mem>>) attributes {dimension_semantics = [#tpu.dimension_semantics<core_parallel>, #tpu.dimension_semantics<subcore_parallel>], iteration_bounds = array<i64: 2, 16>, scalar_prefetch = 0 : i64, scratch_operands = 3 : i64, tpu.core_type = #tpu.core_type<sc_vector_subcore>, window_params = [{transform_indices = #map}, {transform_indices = #map1}, {transform_indices = #map}]} {
    %mul3A = arith.constant 2 : i32
    %mul3A_0 = arith.muli %arg1, %mul3A : i32
    %add3A = arith.addi %mul3A_0, %arg0 : i32
    %mul3A_1 = arith.constant 64 : i32
    %mul3A_2 = arith.muli %add3A, %mul3A_1 : i32
    "tpu.region"() ({
      %run_scoped3A = tpu.sem_alloc : memref<!tpu.dma_semaphore, #tpu.memory_space<semaphore_mem>>
      %dma_start3A_7 = tpu.memref_slice %arg3[%mul3A_2] : memref<2048xi32, #tpu.memory_space<hbm>> -> memref<64xi32, #tpu.memory_space<hbm>>
      %dma_start3A_8 = tpu.memref_slice %arg3[%mul3A_2] : memref<2048xi32, #tpu.memory_space<hbm>> -> memref<64xi32, #tpu.memory_space<hbm>>
      tpu.enqueue_dma source(%dma_start3A_8 : memref<64xi32, #tpu.memory_space<hbm>>) target(%arg5 : memref<64xi32, #tpu.memory_space<vmem>>) target_semaphore(%run_scoped3A : memref<!tpu.dma_semaphore, #tpu.memory_space<semaphore_mem>>)
      %dma_wait3A_9 = tpu.memref_slice %arg3[%mul3A_2] : memref<2048xi32, #tpu.memory_space<hbm>> -> memref<64xi32, #tpu.memory_space<hbm>>
      %dma_wait3A_10 = tpu.memref_slice %arg3[%mul3A_2] : memref<2048xi32, #tpu.memory_space<hbm>> -> memref<64xi32, #tpu.memory_space<hbm>>
      tpu.wait_dma2 semaphore(%run_scoped3A : memref<!tpu.dma_semaphore, #tpu.memory_space<semaphore_mem>>) src(%dma_wait3A_10 : memref<64xi32, #tpu.memory_space<hbm>>) dst(%arg5 : memref<64xi32, #tpu.memory_space<vmem>>)
      tpu.yield
    }) : () -> ()
    %dma_start3A = arith.constant 0 : i32
    %dma_start3A_3 = arith.constant 0 : i32
    %dma_start3A_4 = tpu.memref_slice %arg2[%dma_start3A, %dma_start3A_3] : memref<2048x1024xf32, #tpu.memory_space<hbm>> -> memref<2048x1024xf32, #tpu.memory_space<hbm>>
    tpu.enqueue_indirect_dma source(%dma_start3A_4 : memref<2048x1024xf32, #tpu.memory_space<hbm>>) target(%arg6 : memref<64x1024xf32, #tpu.memory_space<vmem>>) offsets(%arg5 : memref<64xi32, #tpu.memory_space<vmem>>) semaphore(%arg7 : memref<!tpu.dma_semaphore, #tpu.memory_space<semaphore_mem>>)
    %dma_wait3A = arith.constant 0 : i32
    %dma_wait3A_5 = arith.constant 0 : i32
    %dma_wait3A_6 = tpu.memref_slice %arg2[%dma_wait3A, %dma_wait3A_5] : memref<2048x1024xf32, #tpu.memory_space<hbm>> -> memref<2048x1024xf32, #tpu.memory_space<hbm>>
    tpu.wait_indirect_dma semaphore(%arg7 : memref<!tpu.dma_semaphore, #tpu.memory_space<semaphore_mem>>) src(%dma_wait3A_6 : memref<2048x1024xf32, #tpu.memory_space<hbm>>) dst(%arg6 : memref<64x1024xf32, #tpu.memory_space<vmem>>)
    "tpu.region"() ({
      %run_scoped3A = tpu.sem_alloc : memref<!tpu.dma_semaphore, #tpu.memory_space<semaphore_mem>>
      %dma_start3A_7 = arith.constant 0 : i32
      %dma_start3A_8 = tpu.memref_slice %arg4[%mul3A_2, %dma_start3A_7] : memref<2048x1024xf32, #tpu.memory_space<hbm>> -> memref<64x1024xf32, #tpu.memory_space<hbm>>
      %dma_start3A_9 = arith.constant 0 : i32
      %dma_start3A_10 = tpu.memref_slice %arg4[%mul3A_2, %dma_start3A_9] : memref<2048x1024xf32, #tpu.memory_space<hbm>> -> memref<64x1024xf32, #tpu.memory_space<hbm>>
      tpu.enqueue_dma source(%arg6 : memref<64x1024xf32, #tpu.memory_space<vmem>>) target(%dma_start3A_10 : memref<64x1024xf32, #tpu.memory_space<hbm>>) target_semaphore(%run_scoped3A : memref<!tpu.dma_semaphore, #tpu.memory_space<semaphore_mem>>)
      %dma_wait3A_11 = arith.constant 0 : i32
      %dma_wait3A_12 = tpu.memref_slice %arg4[%mul3A_2, %dma_wait3A_11] : memref<2048x1024xf32, #tpu.memory_space<hbm>> -> memref<64x1024xf32, #tpu.memory_space<hbm>>
      %dma_wait3A_13 = arith.constant 0 : i32
      %dma_wait3A_14 = tpu.memref_slice %arg4[%mul3A_2, %dma_wait3A_13] : memref<2048x1024xf32, #tpu.memory_space<hbm>> -> memref<64x1024xf32, #tpu.memory_space<hbm>>
      tpu.wait_dma2 semaphore(%run_scoped3A : memref<!tpu.dma_semaphore, #tpu.memory_space<semaphore_mem>>) src(%arg6 : memref<64x1024xf32, #tpu.memory_space<vmem>>) dst(%dma_wait3A_14 : memref<64x1024xf32, #tpu.memory_space<hbm>>)
      tpu.yield
    }) : () -> ()
    return
  }
}

module attributes {stable_mosaic.version = 14 : i64} {
  func.func @_qkv_body(%arg0: i32, %arg1: memref<256x1024xf32, #tpu.memory_space<vmem>>, %arg2: memref<1024x1024xbf16, #tpu.memory_space<vmem>>, %arg3: memref<1024x1024xbf16, #tpu.memory_space<vmem>>, %arg4: memref<1024x1024xbf16, #tpu.memory_space<vmem>>, %arg5: memref<256x3072xbf16, #tpu.memory_space<vmem>>) attributes {dimension_semantics = [#tpu.dimension_semantics<arbitrary>], iteration_bounds = array<i64: 8>, scalar_prefetch = 0 : i64, scratch_operands = 0 : i64, tpu.core_type = #tpu.core_type<tc>, window_params = [{transform_indices = @transform_0, window_bounds = array<i64: 256, 1024>}, {pipeline_mode = #tpu.pipeline_mode<synchronous>, transform_indices = @transform_1, window_bounds = array<i64: 1024, 1024>}, {pipeline_mode = #tpu.pipeline_mode<synchronous>, transform_indices = @transform_2, window_bounds = array<i64: 1024, 1024>}, {pipeline_mode = #tpu.pipeline_mode<synchronous>, transform_indices = @transform_3, window_bounds = array<i64: 1024, 1024>}, {transform_indices = @transform_4, window_bounds = array<i64: 256, 3072>}]} {
    %get3A = arith.constant 0 : index
    %get3A_0 = arith.constant 0 : index
    %get3A_1 = vector.load %arg1[%get3A, %get3A_0] : memref<256x1024xf32, #tpu.memory_space<vmem>>, vector<256x1024xf32>
    %convert_element_type3A = arith.truncf %get3A_1 : vector<256x1024xf32> to vector<256x1024xbf16>
    %get3A_2 = arith.constant 0 : index
    %get3A_3 = arith.constant 0 : index
    %get3A_4 = vector.load %arg2[%get3A_2, %get3A_3] : memref<1024x1024xbf16, #tpu.memory_space<vmem>>, vector<1024x1024xbf16>
    %dot_general3A = arith.constant dense<0.000000e+00> : vector<256x1024xf32>
    %dot_general3A_5 = tpu.matmul %convert_element_type3A, %get3A_4, %dot_general3A {dimension_numbers = #tpu.dot_dimension_numbers<[1], [0], [0], [1], [0, 0, 1, 1], [], []>, transpose_lhs_hint = false} : vector<256x1024xbf16>, vector<1024x1024xbf16>, vector<256x1024xf32> -> vector<256x1024xf32>
    %convert_element_type3A_6 = arith.truncf %dot_general3A_5 : vector<256x1024xf32> to vector<256x1024xbf16>
    %swap3A = arith.constant 0 : index
    %swap3A_7 = arith.constant 0 : index
    %swap3A_8 = vector.load %arg5[%swap3A, %swap3A_7] : memref<256x3072xbf16, #tpu.memory_space<vmem>>, vector<256x1024xbf16>
    tpu.vector_store %arg5[%swap3A, %swap3A_7], %convert_element_type3A_6 {strides = array<i32>} : memref<256x3072xbf16, #tpu.memory_space<vmem>>, vector<256x1024xbf16>,
    %get3A_9 = arith.constant 0 : index
    %get3A_10 = arith.constant 0 : index
    %get3A_11 = vector.load %arg3[%get3A_9, %get3A_10] : memref<1024x1024xbf16, #tpu.memory_space<vmem>>, vector<1024x1024xbf16>
    %dot_general3A_12 = arith.constant dense<0.000000e+00> : vector<256x1024xf32>
    %dot_general3A_13 = tpu.matmul %convert_element_type3A, %get3A_11, %dot_general3A_12 {dimension_numbers = #tpu.dot_dimension_numbers<[1], [0], [0], [1], [0, 0, 1, 1], [], []>, transpose_lhs_hint = false} : vector<256x1024xbf16>, vector<1024x1024xbf16>, vector<256x1024xf32> -> vector<256x1024xf32>
    %convert_element_type3A_14 = arith.truncf %dot_general3A_13 : vector<256x1024xf32> to vector<256x1024xbf16>
    %swap3A_15 = arith.constant 0 : index
    %swap3A_16 = arith.constant 1024 : index
    %swap3A_17 = vector.load %arg5[%swap3A_15, %swap3A_16] : memref<256x3072xbf16, #tpu.memory_space<vmem>>, vector<256x1024xbf16>
    tpu.vector_store %arg5[%swap3A_15, %swap3A_16], %convert_element_type3A_14 {strides = array<i32>} : memref<256x3072xbf16, #tpu.memory_space<vmem>>, vector<256x1024xbf16>,
    %get3A_18 = arith.constant 0 : index
    %get3A_19 = arith.constant 0 : index
    %get3A_20 = vector.load %arg4[%get3A_18, %get3A_19] : memref<1024x1024xbf16, #tpu.memory_space<vmem>>, vector<1024x1024xbf16>
    %dot_general3A_21 = arith.constant dense<0.000000e+00> : vector<256x1024xf32>
    %dot_general3A_22 = tpu.matmul %convert_element_type3A, %get3A_20, %dot_general3A_21 {dimension_numbers = #tpu.dot_dimension_numbers<[1], [0], [0], [1], [0, 0, 1, 1], [], []>, transpose_lhs_hint = false} : vector<256x1024xbf16>, vector<1024x1024xbf16>, vector<256x1024xf32> -> vector<256x1024xf32>
    %convert_element_type3A_23 = arith.truncf %dot_general3A_22 : vector<256x1024xf32> to vector<256x1024xbf16>
    %swap3A_24 = arith.constant 0 : index
    %swap3A_25 = arith.constant 2048 : index
    %swap3A_26 = vector.load %arg5[%swap3A_24, %swap3A_25] : memref<256x3072xbf16, #tpu.memory_space<vmem>>, vector<256x1024xbf16>
    tpu.vector_store %arg5[%swap3A_24, %swap3A_25], %convert_element_type3A_23 {strides = array<i32>} : memref<256x3072xbf16, #tpu.memory_space<vmem>>, vector<256x1024xbf16>,
    return
  }
  func.func @transform_0(%arg0: i32) -> (i32, i32) {
    %c0_i32 = arith.constant 0 : i32
    %c0_i32_0 = arith.constant 0 : i32
    return %arg0, %c0_i32 : i32, i32
  }
  func.func @transform_1(%arg0: i32) -> (i32, i32) {
    %c0_i32 = arith.constant 0 : i32
    %c0_i32_0 = arith.constant 0 : i32
    %c0_i32_1 = arith.constant 0 : i32
    return %c0_i32, %c0_i32_0 : i32, i32
  }
  func.func @transform_2(%arg0: i32) -> (i32, i32) {
    %c0_i32 = arith.constant 0 : i32
    %c0_i32_0 = arith.constant 0 : i32
    %c0_i32_1 = arith.constant 0 : i32
    return %c0_i32, %c0_i32_0 : i32, i32
  }
  func.func @transform_3(%arg0: i32) -> (i32, i32) {
    %c0_i32 = arith.constant 0 : i32
    %c0_i32_0 = arith.constant 0 : i32
    %c0_i32_1 = arith.constant 0 : i32
    return %c0_i32, %c0_i32_0 : i32, i32
  }
  func.func @transform_4(%arg0: i32) -> (i32, i32) {
    %c0_i32 = arith.constant 0 : i32
    %c0_i32_0 = arith.constant 0 : i32
    return %arg0, %c0_i32 : i32, i32
  }
}

module attributes {stable_mosaic.version = 14 : i64} {
  func.func @_prep_body(%arg0: memref<1x2048xi32, #tpu.memory_space<vmem>>, %arg1: memref<2048x1xi32, #tpu.memory_space<vmem>>, %arg2: memref<1x2048xi32, #tpu.memory_space<vmem>>, %arg3: memref<2048x1xi32, #tpu.memory_space<vmem>>, %arg4: memref<1x2048xi32, #tpu.memory_space<vmem>>, %arg5: memref<8x1xi32, #tpu.memory_space<vmem>>, %arg6: memref<8x1xi32, #tpu.memory_space<vmem>>) attributes {dimension_semantics = [], scalar_prefetch = 0 : i64, scratch_operands = 0 : i64, tpu.core_type = #tpu.core_type<tc>} {
    %get3A = arith.constant 0 : index
    %get3A_0 = arith.constant 0 : index
    %get3A_1 = vector.load %arg0[%get3A, %get3A_0] : memref<1x2048xi32, #tpu.memory_space<vmem>>, vector<1x2048xi32>
    %get3A_2 = arith.constant 0 : index
    %get3A_3 = arith.constant 0 : index
    %get3A_4 = vector.load %arg1[%get3A_2, %get3A_3] : memref<2048x1xi32, #tpu.memory_space<vmem>>, vector<2048x1xi32>
    %iota3A = tpu.iota {dimensions = array<i32: 1>} : vector<1x2048xi32>
    %iota3A_5 = tpu.iota {dimensions = array<i32: 0>} : vector<2048x1xi32>
    %mul3A = arith.constant 2048 : i32
    %mul3A_6 = vector.broadcast %mul3A : i32 to vector<1x2048xi32>
    %mul3A_7 = arith.muli %get3A_1, %mul3A_6 : vector<1x2048xi32>
    %add3A = arith.addi %mul3A_7, %iota3A : vector<1x2048xi32>
    %mul3A_8 = arith.constant 2048 : i32
    %mul3A_9 = vector.broadcast %mul3A_8 : i32 to vector<2048x1xi32>
    %mul3A_10 = arith.muli %get3A_4, %mul3A_9 : vector<2048x1xi32>
    %add3A_11 = arith.addi %mul3A_10, %iota3A_5 : vector<2048x1xi32>
    %broadcast_in_dim3A = arith.constant 0 : i32
    %broadcast_in_dim3A_12 = vector.broadcast %broadcast_in_dim3A : i32 to vector<1x2048xi32>
    %slice3A = vector.extract_strided_slice %add3A_11 {offsets = [0, 0], sizes = [256, 1], strides = [1, 1]} : vector<2048x1xi32> to vector<256x1xi32>
    %lt3A = vector.broadcast %slice3A : vector<256x1xi32> to vector<256x2048xi32>
    %lt3A_13 = vector.broadcast %add3A : vector<1x2048xi32> to vector<256x2048xi32>
    %lt3A_14 = arith.cmpi slt, %lt3A, %lt3A_13 : vector<256x2048xi32>
    %convert_element_type3A = arith.extui %lt3A_14 : vector<256x2048xi1> to vector<256x2048xi32>
    %reduce_sum3A = arith.constant dense<0> : vector<2048xi32>
    %reduce_sum3A_15 = vector.multi_reduction <add>, %convert_element_type3A, %reduce_sum3A [0] : vector<256x2048xi32> to vector<2048xi32>
    %broadcast_in_dim3A_16 = vector.shape_cast %reduce_sum3A_15 : vector<2048xi32> to vector<1x2048xi32>
    %add3A_17 = arith.addi %broadcast_in_dim3A_12, %broadcast_in_dim3A_16 : vector<1x2048xi32>
    %slice3A_18 = vector.extract_strided_slice %add3A_11 {offsets = [256, 0], sizes = [256, 1], strides = [1, 1]} : vector<2048x1xi32> to vector<256x1xi32>
    %lt3A_19 = vector.broadcast %slice3A_18 : vector<256x1xi32> to vector<256x2048xi32>
    %lt3A_20 = vector.broadcast %add3A : vector<1x2048xi32> to vector<256x2048xi32>
    %lt3A_21 = arith.cmpi slt, %lt3A_19, %lt3A_20 : vector<256x2048xi32>
    %convert_element_type3A_22 = arith.extui %lt3A_21 : vector<256x2048xi1> to vector<256x2048xi32>
    %reduce_sum3A_23 = arith.constant dense<0> : vector<2048xi32>
    %reduce_sum3A_24 = vector.multi_reduction <add>, %convert_element_type3A_22, %reduce_sum3A_23 [0] : vector<256x2048xi32> to vector<2048xi32>
    %broadcast_in_dim3A_25 = vector.shape_cast %reduce_sum3A_24 : vector<2048xi32> to vector<1x2048xi32>
    %add3A_26 = arith.addi %add3A_17, %broadcast_in_dim3A_25 : vector<1x2048xi32>
    %slice3A_27 = vector.extract_strided_slice %add3A_11 {offsets = [512, 0], sizes = [256, 1], strides = [1, 1]} : vector<2048x1xi32> to vector<256x1xi32>
    %lt3A_28 = vector.broadcast %slice3A_27 : vector<256x1xi32> to vector<256x2048xi32>
    %lt3A_29 = vector.broadcast %add3A : vector<1x2048xi32> to vector<256x2048xi32>
    %lt3A_30 = arith.cmpi slt, %lt3A_28, %lt3A_29 : vector<256x2048xi32>
    %convert_element_type3A_31 = arith.extui %lt3A_30 : vector<256x2048xi1> to vector<256x2048xi32>
    %reduce_sum3A_32 = arith.constant dense<0> : vector<2048xi32>
    %reduce_sum3A_33 = vector.multi_reduction <add>, %convert_element_type3A_31, %reduce_sum3A_32 [0] : vector<256x2048xi32> to vector<2048xi32>
    %broadcast_in_dim3A_34 = vector.shape_cast %reduce_sum3A_33 : vector<2048xi32> to vector<1x2048xi32>
    %add3A_35 = arith.addi %add3A_26, %broadcast_in_dim3A_34 : vector<1x2048xi32>
    %slice3A_36 = vector.extract_strided_slice %add3A_11 {offsets = [768, 0], sizes = [256, 1], strides = [1, 1]} : vector<2048x1xi32> to vector<256x1xi32>
    %lt3A_37 = vector.broadcast %slice3A_36 : vector<256x1xi32> to vector<256x2048xi32>
    %lt3A_38 = vector.broadcast %add3A : vector<1x2048xi32> to vector<256x2048xi32>
    %lt3A_39 = arith.cmpi slt, %lt3A_37, %lt3A_38 : vector<256x2048xi32>
    %convert_element_type3A_40 = arith.extui %lt3A_39 : vector<256x2048xi1> to vector<256x2048xi32>
    %reduce_sum3A_41 = arith.constant dense<0> : vector<2048xi32>
    %reduce_sum3A_42 = vector.multi_reduction <add>, %convert_element_type3A_40, %reduce_sum3A_41 [0] : vector<256x2048xi32> to vector<2048xi32>
    %broadcast_in_dim3A_43 = vector.shape_cast %reduce_sum3A_42 : vector<2048xi32> to vector<1x2048xi32>
    %add3A_44 = arith.addi %add3A_35, %broadcast_in_dim3A_43 : vector<1x2048xi32>
    %slice3A_45 = vector.extract_strided_slice %add3A_11 {offsets = [1024, 0], sizes = [256, 1], strides = [1, 1]} : vector<2048x1xi32> to vector<256x1xi32>
    %lt3A_46 = vector.broadcast %slice3A_45 : vector<256x1xi32> to vector<256x2048xi32>
    %lt3A_47 = vector.broadcast %add3A : vector<1x2048xi32> to vector<256x2048xi32>
    %lt3A_48 = arith.cmpi slt, %lt3A_46, %lt3A_47 : vector<256x2048xi32>
    %convert_element_type3A_49 = arith.extui %lt3A_48 : vector<256x2048xi1> to vector<256x2048xi32>
    %reduce_sum3A_50 = arith.constant dense<0> : vector<2048xi32>
    %reduce_sum3A_51 = vector.multi_reduction <add>, %convert_element_type3A_49, %reduce_sum3A_50 [0] : vector<256x2048xi32> to vector<2048xi32>
    %broadcast_in_dim3A_52 = vector.shape_cast %reduce_sum3A_51 : vector<2048xi32> to vector<1x2048xi32>
    %add3A_53 = arith.addi %add3A_44, %broadcast_in_dim3A_52 : vector<1x2048xi32>
    %slice3A_54 = vector.extract_strided_slice %add3A_11 {offsets = [1280, 0], sizes = [256, 1], strides = [1, 1]} : vector<2048x1xi32> to vector<256x1xi32>
    %lt3A_55 = vector.broadcast %slice3A_54 : vector<256x1xi32> to vector<256x2048xi32>
    %lt3A_56 = vector.broadcast %add3A : vector<1x2048xi32> to vector<256x2048xi32>
    %lt3A_57 = arith.cmpi slt, %lt3A_55, %lt3A_56 : vector<256x2048xi32>
    %convert_element_type3A_58 = arith.extui %lt3A_57 : vector<256x2048xi1> to vector<256x2048xi32>
    %reduce_sum3A_59 = arith.constant dense<0> : vector<2048xi32>
    %reduce_sum3A_60 = vector.multi_reduction <add>, %convert_element_type3A_58, %reduce_sum3A_59 [0] : vector<256x2048xi32> to vector<2048xi32>
    %broadcast_in_dim3A_61 = vector.shape_cast %reduce_sum3A_60 : vector<2048xi32> to vector<1x2048xi32>
    %add3A_62 = arith.addi %add3A_53, %broadcast_in_dim3A_61 : vector<1x2048xi32>
    %slice3A_63 = vector.extract_strided_slice %add3A_11 {offsets = [1536, 0], sizes = [256, 1], strides = [1, 1]} : vector<2048x1xi32> to vector<256x1xi32>
    %lt3A_64 = vector.broadcast %slice3A_63 : vector<256x1xi32> to vector<256x2048xi32>
    %lt3A_65 = vector.broadcast %add3A : vector<1x2048xi32> to vector<256x2048xi32>
    %lt3A_66 = arith.cmpi slt, %lt3A_64, %lt3A_65 : vector<256x2048xi32>
    %convert_element_type3A_67 = arith.extui %lt3A_66 : vector<256x2048xi1> to vector<256x2048xi32>
    %reduce_sum3A_68 = arith.constant dense<0> : vector<2048xi32>
    %reduce_sum3A_69 = vector.multi_reduction <add>, %convert_element_type3A_67, %reduce_sum3A_68 [0] : vector<256x2048xi32> to vector<2048xi32>
    %broadcast_in_dim3A_70 = vector.shape_cast %reduce_sum3A_69 : vector<2048xi32> to vector<1x2048xi32>
    %add3A_71 = arith.addi %add3A_62, %broadcast_in_dim3A_70 : vector<1x2048xi32>
    %slice3A_72 = vector.extract_strided_slice %add3A_11 {offsets = [1792, 0], sizes = [256, 1], strides = [1, 1]} : vector<2048x1xi32> to vector<256x1xi32>
    %lt3A_73 = vector.broadcast %slice3A_72 : vector<256x1xi32> to vector<256x2048xi32>
    %lt3A_74 = vector.broadcast %add3A : vector<1x2048xi32> to vector<256x2048xi32>
    %lt3A_75 = arith.cmpi slt, %lt3A_73, %lt3A_74 : vector<256x2048xi32>
    %convert_element_type3A_76 = arith.extui %lt3A_75 : vector<256x2048xi1> to vector<256x2048xi32>
    %reduce_sum3A_77 = arith.constant dense<0> : vector<2048xi32>
    %reduce_sum3A_78 = vector.multi_reduction <add>, %convert_element_type3A_76, %reduce_sum3A_77 [0] : vector<256x2048xi32> to vector<2048xi32>
    %broadcast_in_dim3A_79 = vector.shape_cast %reduce_sum3A_78 : vector<2048xi32> to vector<1x2048xi32>
    %add3A_80 = arith.addi %add3A_71, %broadcast_in_dim3A_79 : vector<1x2048xi32>
    %swap3A = arith.constant 0 : index
    %swap3A_81 = arith.constant 0 : index
    %swap3A_82 = vector.load %arg2[%swap3A, %swap3A_81] : memref<1x2048xi32, #tpu.memory_space<vmem>>, vector<1x2048xi32>
    tpu.vector_store %arg2[%swap3A, %swap3A_81], %add3A_80 {strides = array<i32>} : memref<1x2048xi32, #tpu.memory_space<vmem>>, vector<1x2048xi32>,
    %iota3A_83 = tpu.iota {dimensions = array<i32: 1>} : vector<1x16xi32>
    %iota3A_84 = tpu.iota {dimensions = array<i32: 0>} : vector<16x1xi32>
    %lt3A_85 = vector.broadcast %get3A_4 : vector<2048x1xi32> to vector<2048x16xi32>
    %lt3A_86 = vector.broadcast %iota3A_83 : vector<1x16xi32> to vector<2048x16xi32>
    %lt3A_87 = arith.cmpi slt, %lt3A_85, %lt3A_86 : vector<2048x16xi32>
    %convert_element_type3A_88 = arith.extui %lt3A_87 : vector<2048x16xi1> to vector<2048x16xi32>
    %reduce_sum3A_89 = arith.constant dense<0> : vector<16xi32>
    %reduce_sum3A_90 = vector.multi_reduction <add>, %convert_element_type3A_88, %reduce_sum3A_89 [0] : vector<2048x16xi32> to vector<16xi32>
    %broadcast_in_dim3A_91 = vector.shape_cast %reduce_sum3A_90 : vector<16xi32> to vector<1x16xi32>
    %lt3A_92 = vector.broadcast %get3A_1 : vector<1x2048xi32> to vector<16x2048xi32>
    %lt3A_93 = vector.broadcast %iota3A_84 : vector<16x1xi32> to vector<16x2048xi32>
    %lt3A_94 = arith.cmpi slt, %lt3A_92, %lt3A_93 : vector<16x2048xi32>
    %convert_element_type3A_95 = arith.extui %lt3A_94 : vector<16x2048xi1> to vector<16x2048xi32>
    %reduce_sum3A_96 = arith.constant dense<0> : vector<16xi32>
    %reduce_sum3A_97 = vector.multi_reduction <add>, %convert_element_type3A_95, %reduce_sum3A_96 [1] : vector<16x2048xi32> to vector<16xi32>
    %broadcast_in_dim3A_98 = vector.shape_cast %reduce_sum3A_97 : vector<16xi32> to vector<16x1xi32>
    %le3A = vector.broadcast %broadcast_in_dim3A_98 : vector<16x1xi32> to vector<16x2048xi32>
    %le3A_99 = vector.broadcast %iota3A : vector<1x2048xi32> to vector<16x2048xi32>
    %le3A_100 = arith.cmpi sle, %le3A, %le3A_99 : vector<16x2048xi32>
    %convert_element_type3A_101 = arith.extui %le3A_100 : vector<16x2048xi1> to vector<16x2048xi32>
    %reduce_sum3A_102 = arith.constant dense<0> : vector<2048xi32>
    %reduce_sum3A_103 = vector.multi_reduction <add>, %convert_element_type3A_101, %reduce_sum3A_102 [0] : vector<16x2048xi32> to vector<2048xi32>
    %broadcast_in_dim3A_104 = vector.shape_cast %reduce_sum3A_103 : vector<2048xi32> to vector<1x2048xi32>
    %sub3A = arith.constant 1 : i32
    %sub3A_105 = vector.broadcast %sub3A : i32 to vector<1x2048xi32>
    %sub3A_106 = arith.subi %broadcast_in_dim3A_104, %sub3A_105 : vector<1x2048xi32>
    %swap3A_107 = arith.constant 0 : index
    %swap3A_108 = arith.constant 0 : index
    %swap3A_109 = vector.load %arg4[%swap3A_107, %swap3A_108] : memref<1x2048xi32, #tpu.memory_space<vmem>>, vector<1x2048xi32>
    tpu.vector_store %arg4[%swap3A_107, %swap3A_108], %sub3A_106 {strides = array<i32>} : memref<1x2048xi32, #tpu.memory_space<vmem>>, vector<1x2048xi32>,
    %le3A_110 = vector.broadcast %broadcast_in_dim3A_91 : vector<1x16xi32> to vector<2048x16xi32>
    %le3A_111 = vector.broadcast %iota3A_5 : vector<2048x1xi32> to vector<2048x16xi32>
    %le3A_112 = arith.cmpi sle, %le3A_110, %le3A_111 : vector<2048x16xi32>
    %convert_element_type3A_113 = arith.extui %le3A_112 : vector<2048x16xi1> to vector<2048x16xi32>
    %reduce_sum3A_114 = arith.constant dense<0> : vector<2048xi32>
    %reduce_sum3A_115 = vector.multi_reduction <add>, %convert_element_type3A_113, %reduce_sum3A_114 [1] : vector<2048x16xi32> to vector<2048xi32>
    %broadcast_in_dim3A_116 = vector.shape_cast %reduce_sum3A_115 : vector<2048xi32> to vector<2048x1xi32>
    %sub3A_117 = arith.constant 1 : i32
    %sub3A_118 = vector.broadcast %sub3A_117 : i32 to vector<2048x1xi32>
    %sub3A_119 = arith.subi %broadcast_in_dim3A_116, %sub3A_118 : vector<2048x1xi32>
    %swap3A_120 = arith.constant 0 : index
    %swap3A_121 = arith.constant 0 : index
    %swap3A_122 = vector.load %arg3[%swap3A_120, %swap3A_121] : memref<2048x1xi32, #tpu.memory_space<vmem>>, vector<2048x1xi32>
    tpu.vector_store %arg3[%swap3A_120, %swap3A_121], %sub3A_119 {strides = array<i32>} : memref<2048x1xi32, #tpu.memory_space<vmem>>, vector<2048x1xi32>,
    %iota3A_123 = tpu.iota {dimensions = array<i32: 1>} : vector<1x8xi32>
    %mul3A_124 = arith.constant 256 : i32
    %mul3A_125 = vector.broadcast %mul3A_124 : i32 to vector<1x8xi32>
    %mul3A_126 = arith.muli %iota3A_123, %mul3A_125 : vector<1x8xi32>
    %iota3A_127 = tpu.iota {dimensions = array<i32: 0>} : vector<8x1xi32>
    %mul3A_128 = arith.constant 256 : i32
    %mul3A_129 = vector.broadcast %mul3A_128 : i32 to vector<8x1xi32>
    %mul3A_130 = arith.muli %iota3A_127, %mul3A_129 : vector<8x1xi32>
    %le3A_131 = vector.broadcast %broadcast_in_dim3A_98 : vector<16x1xi32> to vector<16x8xi32>
    %le3A_132 = vector.broadcast %mul3A_126 : vector<1x8xi32> to vector<16x8xi32>
    %le3A_133 = arith.cmpi sle, %le3A_131, %le3A_132 : vector<16x8xi32>
    %convert_element_type3A_134 = arith.extui %le3A_133 : vector<16x8xi1> to vector<16x8xi32>
    %reduce_sum3A_135 = arith.constant dense<0> : vector<8xi32>
    %reduce_sum3A_136 = vector.multi_reduction <add>, %convert_element_type3A_134, %reduce_sum3A_135 [0] : vector<16x8xi32> to vector<8xi32>
    %broadcast_in_dim3A_137 = vector.shape_cast %reduce_sum3A_136 : vector<8xi32> to vector<1x8xi32>
    %sub3A_138 = arith.constant 1 : i32
    %sub3A_139 = vector.broadcast %sub3A_138 : i32 to vector<1x8xi32>
    %sub3A_140 = arith.subi %broadcast_in_dim3A_137, %sub3A_139 : vector<1x8xi32>
    %add3A_141 = arith.constant 255 : i32
    %add3A_142 = vector.broadcast %add3A_141 : i32 to vector<1x8xi32>
    %add3A_143 = arith.addi %mul3A_126, %add3A_142 : vector<1x8xi32>
    %le3A_144 = vector.broadcast %broadcast_in_dim3A_98 : vector<16x1xi32> to vector<16x8xi32>
    %le3A_145 = vector.broadcast %add3A_143 : vector<1x8xi32> to vector<16x8xi32>
    %le3A_146 = arith.cmpi sle, %le3A_144, %le3A_145 : vector<16x8xi32>
    %convert_element_type3A_147 = arith.extui %le3A_146 : vector<16x8xi1> to vector<16x8xi32>
    %reduce_sum3A_148 = arith.constant dense<0> : vector<8xi32>
    %reduce_sum3A_149 = vector.multi_reduction <add>, %convert_element_type3A_147, %reduce_sum3A_148 [0] : vector<16x8xi32> to vector<8xi32>
    %broadcast_in_dim3A_150 = vector.shape_cast %reduce_sum3A_149 : vector<8xi32> to vector<1x8xi32>
    %sub3A_151 = arith.constant 1 : i32
    %sub3A_152 = vector.broadcast %sub3A_151 : i32 to vector<1x8xi32>
    %sub3A_153 = arith.subi %broadcast_in_dim3A_150, %sub3A_152 : vector<1x8xi32>
    %le3A_154 = vector.broadcast %broadcast_in_dim3A_91 : vector<1x16xi32> to vector<8x16xi32>
    %le3A_155 = vector.broadcast %mul3A_130 : vector<8x1xi32> to vector<8x16xi32>
    %le3A_156 = arith.cmpi sle, %le3A_154, %le3A_155 : vector<8x16xi32>
    %convert_element_type3A_157 = arith.extui %le3A_156 : vector<8x16xi1> to vector<8x16xi32>
    %reduce_sum3A_158 = arith.constant dense<0> : vector<8xi32>
    %reduce_sum3A_159 = vector.multi_reduction <add>, %convert_element_type3A_157, %reduce_sum3A_158 [1] : vector<8x16xi32> to vector<8xi32>
    %broadcast_in_dim3A_160 = vector.shape_cast %reduce_sum3A_159 : vector<8xi32> to vector<8x1xi32>
    %sub3A_161 = arith.constant 1 : i32
    %sub3A_162 = vector.broadcast %sub3A_161 : i32 to vector<8x1xi32>
    %sub3A_163 = arith.subi %broadcast_in_dim3A_160, %sub3A_162 : vector<8x1xi32>
    %add3A_164 = arith.constant 255 : i32
    %add3A_165 = vector.broadcast %add3A_164 : i32 to vector<8x1xi32>
    %add3A_166 = arith.addi %mul3A_130, %add3A_165 : vector<8x1xi32>
    %le3A_167 = vector.broadcast %broadcast_in_dim3A_91 : vector<1x16xi32> to vector<8x16xi32>
    %le3A_168 = vector.broadcast %add3A_166 : vector<8x1xi32> to vector<8x16xi32>
    %le3A_169 = arith.cmpi sle, %le3A_167, %le3A_168 : vector<8x16xi32>
    %convert_element_type3A_170 = arith.extui %le3A_169 : vector<8x16xi1> to vector<8x16xi32>
    %reduce_sum3A_171 = arith.constant dense<0> : vector<8xi32>
    %reduce_sum3A_172 = vector.multi_reduction <add>, %convert_element_type3A_170, %reduce_sum3A_171 [1] : vector<8x16xi32> to vector<8xi32>
    %broadcast_in_dim3A_173 = vector.shape_cast %reduce_sum3A_172 : vector<8xi32> to vector<8x1xi32>
    %sub3A_174 = arith.constant 1 : i32
    %sub3A_175 = vector.broadcast %sub3A_174 : i32 to vector<8x1xi32>
    %sub3A_176 = arith.subi %broadcast_in_dim3A_173, %sub3A_175 : vector<8x1xi32>
    %lt3A_177 = vector.broadcast %sub3A_153 : vector<1x8xi32> to vector<8x8xi32>
    %lt3A_178 = vector.broadcast %sub3A_163 : vector<8x1xi32> to vector<8x8xi32>
    %lt3A_179 = arith.cmpi slt, %lt3A_177, %lt3A_178 : vector<8x8xi32>
    %convert_element_type3A_180 = arith.extui %lt3A_179 : vector<8x8xi1> to vector<8x8xi32>
    %reduce_sum3A_181 = arith.constant dense<0> : vector<8xi32>
    %reduce_sum3A_182 = vector.multi_reduction <add>, %convert_element_type3A_180, %reduce_sum3A_181 [1] : vector<8x8xi32> to vector<8xi32>
    %broadcast_in_dim3A_183 = vector.shape_cast %reduce_sum3A_182 : vector<8xi32> to vector<8x1xi32>
    %swap3A_184 = arith.constant 0 : index
    %swap3A_185 = arith.constant 0 : index
    %swap3A_186 = vector.load %arg5[%swap3A_184, %swap3A_185] : memref<8x1xi32, #tpu.memory_space<vmem>>, vector<8x1xi32>
    tpu.vector_store %arg5[%swap3A_184, %swap3A_185], %broadcast_in_dim3A_183 {strides = array<i32>} : memref<8x1xi32, #tpu.memory_space<vmem>>, vector<8x1xi32>,
    %gt3A = vector.broadcast %sub3A_140 : vector<1x8xi32> to vector<8x8xi32>
    %gt3A_187 = vector.broadcast %sub3A_176 : vector<8x1xi32> to vector<8x8xi32>
    %gt3A_188 = arith.cmpi sgt, %gt3A, %gt3A_187 : vector<8x8xi32>
    %convert_element_type3A_189 = arith.extui %gt3A_188 : vector<8x8xi1> to vector<8x8xi32>
    %reduce_sum3A_190 = arith.constant dense<0> : vector<8xi32>
    %reduce_sum3A_191 = vector.multi_reduction <add>, %convert_element_type3A_189, %reduce_sum3A_190 [1] : vector<8x8xi32> to vector<8xi32>
    %broadcast_in_dim3A_192 = vector.shape_cast %reduce_sum3A_191 : vector<8xi32> to vector<8x1xi32>
    %sub3A_193 = arith.constant 8 : i32
    %sub3A_194 = vector.broadcast %sub3A_193 : i32 to vector<8x1xi32>
    %sub3A_195 = arith.subi %sub3A_194, %broadcast_in_dim3A_192 : vector<8x1xi32>
    %swap3A_196 = arith.constant 0 : index
    %swap3A_197 = arith.constant 0 : index
    %swap3A_198 = vector.load %arg6[%swap3A_196, %swap3A_197] : memref<8x1xi32, #tpu.memory_space<vmem>>, vector<8x1xi32>
    tpu.vector_store %arg6[%swap3A_196, %swap3A_197], %sub3A_195 {strides = array<i32>} : memref<8x1xi32, #tpu.memory_space<vmem>>, vector<8x1xi32>,
    return
  }
}

module attributes {stable_mosaic.version = 14 : i64} {
  func.func @_flash_body(%arg0: i32, %arg1: memref<8x1xi32, #tpu.memory_space<smem>>, %arg2: memref<8x1xi32, #tpu.memory_space<smem>>, %arg3: memref<256x1024xbf16, #tpu.memory_space<vmem>>, %arg4: memref<2048x1024xbf16, #tpu.memory_space<vmem>>, %arg5: memref<2048x1024xbf16, #tpu.memory_space<vmem>>, %arg6: memref<256x1xi32, #tpu.memory_space<vmem>>, %arg7: memref<1x2048xi32, #tpu.memory_space<vmem>>, %arg8: memref<1024x1024xbf16, #tpu.memory_space<vmem>>, %arg9: memref<256x1024xf32, #tpu.memory_space<vmem>>) attributes {dimension_semantics = [#tpu.dimension_semantics<arbitrary>], iteration_bounds = array<i64: 8>, scalar_prefetch = 2 : i64, scratch_operands = 0 : i64, tpu.core_type = #tpu.core_type<tc>, window_params = [{transform_indices = @transform_0, window_bounds = array<i64: 256, 1024>}, {transform_indices = @transform_1, window_bounds = array<i64: 2048, 1024>}, {transform_indices = @transform_2, window_bounds = array<i64: 2048, 1024>}, {transform_indices = @transform_3, window_bounds = array<i64: 256, 1>}, {pipeline_mode = #tpu.pipeline_mode<synchronous>, transform_indices = @transform_4, window_bounds = array<i64: 1, 2048>}, {pipeline_mode = #tpu.pipeline_mode<synchronous>, transform_indices = @transform_5, window_bounds = array<i64: 1024, 1024>}, {transform_indices = @transform_6, window_bounds = array<i64: 256, 1024>}]} {
    %get3A = arith.index_cast %arg0 : i32 to index
    %get3A_0 = arith.constant 0 : index
    %get3A_1 = memref.load %arg1[%get3A, %get3A_0] : memref<8x1xi32, #tpu.memory_space<smem>>
    %get3A_2 = arith.index_cast %arg0 : i32 to index
    %get3A_3 = arith.constant 0 : index
    %get3A_4 = memref.load %arg2[%get3A_2, %get3A_3] : memref<8x1xi32, #tpu.memory_space<smem>>
    %get3A_5 = arith.constant 0 : index
    %get3A_6 = arith.constant 0 : index
    %get3A_7 = vector.load %arg6[%get3A_5, %get3A_6] : memref<256x1xi32, #tpu.memory_space<vmem>>, vector<256x1xi32>
    %get3A_8 = arith.constant 0 : index
    %get3A_9 = arith.constant 0 : index
    %get3A_10 = vector.load %arg3[%get3A_8, %get3A_9] : memref<256x1024xbf16, #tpu.memory_space<vmem>>, vector<256x64xbf16>
    %get3A_11 = arith.constant 0 : index
    %get3A_12 = arith.constant 64 : index
    %get3A_13 = vector.load %arg3[%get3A_11, %get3A_12] : memref<256x1024xbf16, #tpu.memory_space<vmem>>, vector<256x64xbf16>
    %get3A_14 = arith.constant 0 : index
    %get3A_15 = arith.constant 128 : index
    %get3A_16 = vector.load %arg3[%get3A_14, %get3A_15] : memref<256x1024xbf16, #tpu.memory_space<vmem>>, vector<256x64xbf16>
    %get3A_17 = arith.constant 0 : index
    %get3A_18 = arith.constant 192 : index
    %get3A_19 = vector.load %arg3[%get3A_17, %get3A_18] : memref<256x1024xbf16, #tpu.memory_space<vmem>>, vector<256x64xbf16>
    %get3A_20 = arith.constant 0 : index
    %get3A_21 = arith.constant 256 : index
    %get3A_22 = vector.load %arg3[%get3A_20, %get3A_21] : memref<256x1024xbf16, #tpu.memory_space<vmem>>, vector<256x64xbf16>
    %get3A_23 = arith.constant 0 : index
    %get3A_24 = arith.constant 320 : index
    %get3A_25 = vector.load %arg3[%get3A_23, %get3A_24] : memref<256x1024xbf16, #tpu.memory_space<vmem>>, vector<256x64xbf16>
    %get3A_26 = arith.constant 0 : index
    %get3A_27 = arith.constant 384 : index
    %get3A_28 = vector.load %arg3[%get3A_26, %get3A_27] : memref<256x1024xbf16, #tpu.memory_space<vmem>>, vector<256x64xbf16>
    %get3A_29 = arith.constant 0 : index
    %get3A_30 = arith.constant 448 : index
    %get3A_31 = vector.load %arg3[%get3A_29, %get3A_30] : memref<256x1024xbf16, #tpu.memory_space<vmem>>, vector<256x64xbf16>
    %get3A_32 = arith.constant 0 : index
    %get3A_33 = arith.constant 512 : index
    %get3A_34 = vector.load %arg3[%get3A_32, %get3A_33] : memref<256x1024xbf16, #tpu.memory_space<vmem>>, vector<256x64xbf16>
    %get3A_35 = arith.constant 0 : index
    %get3A_36 = arith.constant 576 : index
    %get3A_37 = vector.load %arg3[%get3A_35, %get3A_36] : memref<256x1024xbf16, #tpu.memory_space<vmem>>, vector<256x64xbf16>
    %get3A_38 = arith.constant 0 : index
    %get3A_39 = arith.constant 640 : index
    %get3A_40 = vector.load %arg3[%get3A_38, %get3A_39] : memref<256x1024xbf16, #tpu.memory_space<vmem>>, vector<256x64xbf16>
    %get3A_41 = arith.constant 0 : index
    %get3A_42 = arith.constant 704 : index
    %get3A_43 = vector.load %arg3[%get3A_41, %get3A_42] : memref<256x1024xbf16, #tpu.memory_space<vmem>>, vector<256x64xbf16>
    %get3A_44 = arith.constant 0 : index
    %get3A_45 = arith.constant 768 : index
    %get3A_46 = vector.load %arg3[%get3A_44, %get3A_45] : memref<256x1024xbf16, #tpu.memory_space<vmem>>, vector<256x64xbf16>
    %get3A_47 = arith.constant 0 : index
    %get3A_48 = arith.constant 832 : index
    %get3A_49 = vector.load %arg3[%get3A_47, %get3A_48] : memref<256x1024xbf16, #tpu.memory_space<vmem>>, vector<256x64xbf16>
    %get3A_50 = arith.constant 0 : index
    %get3A_51 = arith.constant 896 : index
    %get3A_52 = vector.load %arg3[%get3A_50, %get3A_51] : memref<256x1024xbf16, #tpu.memory_space<vmem>>, vector<256x64xbf16>
    %get3A_53 = arith.constant 0 : index
    %get3A_54 = arith.constant 960 : index
    %get3A_55 = vector.load %arg3[%get3A_53, %get3A_54] : memref<256x1024xbf16, #tpu.memory_space<vmem>>, vector<256x64xbf16>
    %broadcast_in_dim3A = arith.constant 0.000000e+00 : f32
    %broadcast_in_dim3A_56 = vector.broadcast %broadcast_in_dim3A : f32 to vector<256x1xf32>
    %broadcast_in_dim3A_57 = arith.constant 0.000000e+00 : f32
    %broadcast_in_dim3A_58 = vector.broadcast %broadcast_in_dim3A_57 : f32 to vector<256x64xf32>
    %broadcast_in_dim3A_59 = arith.constant 0.000000e+00 : f32
    %broadcast_in_dim3A_60 = vector.broadcast %broadcast_in_dim3A_59 : f32 to vector<256x1xf32>
    %broadcast_in_dim3A_61 = arith.constant 0.000000e+00 : f32
    %broadcast_in_dim3A_62 = vector.broadcast %broadcast_in_dim3A_61 : f32 to vector<256x64xf32>
    %broadcast_in_dim3A_63 = arith.constant 0.000000e+00 : f32
    %broadcast_in_dim3A_64 = vector.broadcast %broadcast_in_dim3A_63 : f32 to vector<256x1xf32>
    %broadcast_in_dim3A_65 = arith.constant 0.000000e+00 : f32
    %broadcast_in_dim3A_66 = vector.broadcast %broadcast_in_dim3A_65 : f32 to vector<256x64xf32>
    %broadcast_in_dim3A_67 = arith.constant 0.000000e+00 : f32
    %broadcast_in_dim3A_68 = vector.broadcast %broadcast_in_dim3A_67 : f32 to vector<256x1xf32>
    %broadcast_in_dim3A_69 = arith.constant 0.000000e+00 : f32
    %broadcast_in_dim3A_70 = vector.broadcast %broadcast_in_dim3A_69 : f32 to vector<256x64xf32>
    %broadcast_in_dim3A_71 = arith.constant 0.000000e+00 : f32
    %broadcast_in_dim3A_72 = vector.broadcast %broadcast_in_dim3A_71 : f32 to vector<256x1xf32>
    %broadcast_in_dim3A_73 = arith.constant 0.000000e+00 : f32
    %broadcast_in_dim3A_74 = vector.broadcast %broadcast_in_dim3A_73 : f32 to vector<256x64xf32>
    %broadcast_in_dim3A_75 = arith.constant 0.000000e+00 : f32
    %broadcast_in_dim3A_76 = vector.broadcast %broadcast_in_dim3A_75 : f32 to vector<256x1xf32>
    %broadcast_in_dim3A_77 = arith.constant 0.000000e+00 : f32
    %broadcast_in_dim3A_78 = vector.broadcast %broadcast_in_dim3A_77 : f32 to vector<256x64xf32>
    %broadcast_in_dim3A_79 = arith.constant 0.000000e+00 : f32
    %broadcast_in_dim3A_80 = vector.broadcast %broadcast_in_dim3A_79 : f32 to vector<256x1xf32>
    %broadcast_in_dim3A_81 = arith.constant 0.000000e+00 : f32
    %broadcast_in_dim3A_82 = vector.broadcast %broadcast_in_dim3A_81 : f32 to vector<256x64xf32>
    %broadcast_in_dim3A_83 = arith.constant 0.000000e+00 : f32
    %broadcast_in_dim3A_84 = vector.broadcast %broadcast_in_dim3A_83 : f32 to vector<256x1xf32>
    %broadcast_in_dim3A_85 = arith.constant 0.000000e+00 : f32
    %broadcast_in_dim3A_86 = vector.broadcast %broadcast_in_dim3A_85 : f32 to vector<256x64xf32>
    %broadcast_in_dim3A_87 = arith.constant 0.000000e+00 : f32
    %broadcast_in_dim3A_88 = vector.broadcast %broadcast_in_dim3A_87 : f32 to vector<256x1xf32>
    %broadcast_in_dim3A_89 = arith.constant 0.000000e+00 : f32
    %broadcast_in_dim3A_90 = vector.broadcast %broadcast_in_dim3A_89 : f32 to vector<256x64xf32>
    %broadcast_in_dim3A_91 = arith.constant 0.000000e+00 : f32
    %broadcast_in_dim3A_92 = vector.broadcast %broadcast_in_dim3A_91 : f32 to vector<256x1xf32>
    %broadcast_in_dim3A_93 = arith.constant 0.000000e+00 : f32
    %broadcast_in_dim3A_94 = vector.broadcast %broadcast_in_dim3A_93 : f32 to vector<256x64xf32>
    %broadcast_in_dim3A_95 = arith.constant 0.000000e+00 : f32
    %broadcast_in_dim3A_96 = vector.broadcast %broadcast_in_dim3A_95 : f32 to vector<256x1xf32>
    %broadcast_in_dim3A_97 = arith.constant 0.000000e+00 : f32
    %broadcast_in_dim3A_98 = vector.broadcast %broadcast_in_dim3A_97 : f32 to vector<256x64xf32>
    %broadcast_in_dim3A_99 = arith.constant 0.000000e+00 : f32
    %broadcast_in_dim3A_100 = vector.broadcast %broadcast_in_dim3A_99 : f32 to vector<256x1xf32>
    %broadcast_in_dim3A_101 = arith.constant 0.000000e+00 : f32
    %broadcast_in_dim3A_102 = vector.broadcast %broadcast_in_dim3A_101 : f32 to vector<256x64xf32>
    %broadcast_in_dim3A_103 = arith.constant 0.000000e+00 : f32
    %broadcast_in_dim3A_104 = vector.broadcast %broadcast_in_dim3A_103 : f32 to vector<256x1xf32>
    %broadcast_in_dim3A_105 = arith.constant 0.000000e+00 : f32
    %broadcast_in_dim3A_106 = vector.broadcast %broadcast_in_dim3A_105 : f32 to vector<256x64xf32>
    %broadcast_in_dim3A_107 = arith.constant 0.000000e+00 : f32
    %broadcast_in_dim3A_108 = vector.broadcast %broadcast_in_dim3A_107 : f32 to vector<256x1xf32>
    %broadcast_in_dim3A_109 = arith.constant 0.000000e+00 : f32
    %broadcast_in_dim3A_110 = vector.broadcast %broadcast_in_dim3A_109 : f32 to vector<256x64xf32>
    %broadcast_in_dim3A_111 = arith.constant 0.000000e+00 : f32
    %broadcast_in_dim3A_112 = vector.broadcast %broadcast_in_dim3A_111 : f32 to vector<256x1xf32>
    %broadcast_in_dim3A_113 = arith.constant 0.000000e+00 : f32
    %broadcast_in_dim3A_114 = vector.broadcast %broadcast_in_dim3A_113 : f32 to vector<256x64xf32>
    %broadcast_in_dim3A_115 = arith.constant 0.000000e+00 : f32
    %broadcast_in_dim3A_116 = vector.broadcast %broadcast_in_dim3A_115 : f32 to vector<256x1xf32>
    %broadcast_in_dim3A_117 = arith.constant 0.000000e+00 : f32
    %broadcast_in_dim3A_118 = vector.broadcast %broadcast_in_dim3A_117 : f32 to vector<256x64xf32>
    %while3A = arith.constant 1.250000e-01 : f32
    %while3A_119 = arith.subi %get3A_4, %get3A_1 : i32
    %while3A_120 = arith.addi %get3A_1, %while3A_119 : i32
    %while3A_121 = arith.constant 1 : i32
    %while3A_122 = arith.divsi %while3A_119, %while3A_121 : i32
    %while3A_123 = arith.muli %while3A_122, %while3A_121 : i32
    %while3A_124 = arith.addi %get3A_1, %while3A_123 : i32
    %while3A_125 = arith.constant 1 : i32
    %while3A_126:32 = scf.for %while3A_181 = %get3A_1 to %while3A_124 step %while3A_125 iter_args(%while3A_182 = %broadcast_in_dim3A_56, %while3A_183 = %broadcast_in_dim3A_58, %while3A_184 = %broadcast_in_dim3A_60, %while3A_185 = %broadcast_in_dim3A_62, %while3A_186 = %broadcast_in_dim3A_64, %while3A_187 = %broadcast_in_dim3A_66, %while3A_188 = %broadcast_in_dim3A_68, %while3A_189 = %broadcast_in_dim3A_70, %while3A_190 = %broadcast_in_dim3A_72, %while3A_191 = %broadcast_in_dim3A_74, %while3A_192 = %broadcast_in_dim3A_76, %while3A_193 = %broadcast_in_dim3A_78, %while3A_194 = %broadcast_in_dim3A_80, %while3A_195 = %broadcast_in_dim3A_82, %while3A_196 = %broadcast_in_dim3A_84, %while3A_197 = %broadcast_in_dim3A_86, %while3A_198 = %broadcast_in_dim3A_88, %while3A_199 = %broadcast_in_dim3A_90, %while3A_200 = %broadcast_in_dim3A_92, %while3A_201 = %broadcast_in_dim3A_94, %while3A_202 = %broadcast_in_dim3A_96, %while3A_203 = %broadcast_in_dim3A_98, %while3A_204 = %broadcast_in_dim3A_100, %while3A_205 = %broadcast_in_dim3A_102, %while3A_206 = %broadcast_in_dim3A_104, %while3A_207 = %broadcast_in_dim3A_106, %while3A_208 = %broadcast_in_dim3A_108, %while3A_209 = %broadcast_in_dim3A_110, %while3A_210 = %broadcast_in_dim3A_112, %while3A_211 = %broadcast_in_dim3A_114, %while3A_212 = %broadcast_in_dim3A_116, %while3A_213 = %broadcast_in_dim3A_118) -> (vector<256x1xf32>, vector<256x64xf32>, vector<256x1xf32>, vector<256x64xf32>, vector<256x1xf32>, vector<256x64xf32>, vector<256x1xf32>, vector<256x64xf32>, vector<256x1xf32>, vector<256x64xf32>, vector<256x1xf32>, vector<256x64xf32>, vector<256x1xf32>, vector<256x64xf32>, vector<256x1xf32>, vector<256x64xf32>, vector<256x1xf32>, vector<256x64xf32>, vector<256x1xf32>, vector<256x64xf32>, vector<256x1xf32>, vector<256x64xf32>, vector<256x1xf32>, vector<256x64xf32>, vector<256x1xf32>, vector<256x64xf32>, vector<256x1xf32>, vector<256x64xf32>, vector<256x1xf32>, vector<256x64xf32>, vector<256x1xf32>, vector<256x64xf32>)  : i32 {
      %mul3A = arith.constant 256 : i32
      %mul3A_214 = arith.muli %while3A_181, %mul3A : i32
      %get3A_215 = arith.index_cast %mul3A_214 : i32 to index
      %get3A_216 = arith.constant 0 : index
      %get3A_217 = vector.load %arg4[%get3A_215, %get3A_216] : memref<2048x1024xbf16, #tpu.memory_space<vmem>>, vector<256x1024xbf16>
      %mul3A_218 = arith.constant 256 : i32
      %mul3A_219 = arith.muli %while3A_181, %mul3A_218 : i32
      %get3A_220 = arith.index_cast %mul3A_219 : i32 to index
      %get3A_221 = arith.constant 0 : index
      %get3A_222 = vector.load %arg5[%get3A_220, %get3A_221] : memref<2048x1024xbf16, #tpu.memory_space<vmem>>, vector<256x1024xbf16>
      %mul3A_223 = arith.constant 256 : i32
      %mul3A_224 = arith.muli %while3A_181, %mul3A_223 : i32
      %get3A_225 = arith.constant 0 : index
      %get3A_226 = arith.index_cast %mul3A_224 : i32 to index
      %get3A_227 = vector.load %arg7[%get3A_225, %get3A_226] : memref<1x2048xi32, #tpu.memory_space<vmem>>, vector<1x256xi32>
      %eq3A = vector.broadcast %get3A_7 : vector<256x1xi32> to vector<256x256xi32>
      %eq3A_228 = vector.broadcast %get3A_227 : vector<1x256xi32> to vector<256x256xi32>
      %eq3A_229 = arith.cmpi eq, %eq3A, %eq3A_228 : vector<256x256xi32>
      %jit3A = arith.constant 0.000000e+00 : f32
      %jit3A_230 = arith.constant -1.000000e+09 : f32
      %broadcast_in_dim3A_231 = vector.broadcast %jit3A : f32 to vector<256x256xf32>
      %broadcast_in_dim3A_232 = vector.broadcast %jit3A_230 : f32 to vector<256x256xf32>
      %select_n3A = arith.select %eq3A_229, %broadcast_in_dim3A_231, %broadcast_in_dim3A_232 : vector<256x256xi1>, vector<256x256xf32>
      %slice3A = vector.extract_strided_slice %get3A_217 {offsets = [0, 0], sizes = [256, 64], strides = [1, 1]} : vector<256x1024xbf16> to vector<256x64xbf16>
      %dot_general3A_233 = arith.constant dense<0.000000e+00> : vector<256x256xf32>
      %dot_general3A_234 = tpu.matmul %get3A_10, %slice3A, %dot_general3A_233 {dimension_numbers = #tpu.dot_dimension_numbers<[1], [1], [0], [0], [0, 0, 1, 0], [], []>, transpose_lhs_hint = false} : vector<256x64xbf16>, vector<256x64xbf16>, vector<256x256xf32> -> vector<256x256xf32>
      %mul3A_235 = vector.broadcast %while3A : f32 to vector<256x256xf32>
      %mul3A_236 = arith.mulf %dot_general3A_234, %mul3A_235 : vector<256x256xf32>
      %add3A = arith.addf %mul3A_236, %select_n3A : vector<256x256xf32>
      %exp3A = math.exp %add3A : vector<256x256xf32>
      %reduce_sum3A = arith.constant dense<0.000000e+00> : vector<256xf32>
      %reduce_sum3A_237 = vector.multi_reduction <add>, %exp3A, %reduce_sum3A [1] : vector<256x256xf32> to vector<256xf32>
      %broadcast_in_dim3A_238 = vector.shape_cast %reduce_sum3A_237 : vector<256xf32> to vector<256x1xf32>
      %add3A_239 = arith.addf %while3A_182, %broadcast_in_dim3A_238 : vector<256x1xf32>
      %slice3A_240 = vector.extract_strided_slice %get3A_222 {offsets = [0, 0], sizes = [256, 64], strides = [1, 1]} : vector<256x1024xbf16> to vector<256x64xbf16>
      %convert_element_type3A_241 = arith.truncf %exp3A : vector<256x256xf32> to vector<256x256xbf16>
      %dot_general3A_242 = arith.constant dense<0.000000e+00> : vector<256x64xf32>
      %dot_general3A_243 = tpu.matmul %convert_element_type3A_241, %slice3A_240, %dot_general3A_242 {dimension_numbers = #tpu.dot_dimension_numbers<[1], [0], [0], [1], [0, 0, 1, 1], [], []>, transpose_lhs_hint = false} : vector<256x256xbf16>, vector<256x64xbf16>, vector<256x64xf32> -> vector<256x64xf32>
      %add3A_244 = arith.addf %while3A_183, %dot_general3A_243 : vector<256x64xf32>
      %slice3A_245 = vector.extract_strided_slice %get3A_217 {offsets = [0, 64], sizes = [256, 64], strides = [1, 1]} : vector<256x1024xbf16> to vector<256x64xbf16>
      %dot_general3A_246 = arith.constant dense<0.000000e+00> : vector<256x256xf32>
      %dot_general3A_247 = tpu.matmul %get3A_13, %slice3A_245, %dot_general3A_246 {dimension_numbers = #tpu.dot_dimension_numbers<[1], [1], [0], [0], [0, 0, 1, 0], [], []>, transpose_lhs_hint = false} : vector<256x64xbf16>, vector<256x64xbf16>, vector<256x256xf32> -> vector<256x256xf32>
      %mul3A_248 = vector.broadcast %while3A : f32 to vector<256x256xf32>
      %mul3A_249 = arith.mulf %dot_general3A_247, %mul3A_248 : vector<256x256xf32>
      %add3A_250 = arith.addf %mul3A_249, %select_n3A : vector<256x256xf32>
      %exp3A_251 = math.exp %add3A_250 : vector<256x256xf32>
      %reduce_sum3A_252 = arith.constant dense<0.000000e+00> : vector<256xf32>
      %reduce_sum3A_253 = vector.multi_reduction <add>, %exp3A_251, %reduce_sum3A_252 [1] : vector<256x256xf32> to vector<256xf32>
      %broadcast_in_dim3A_254 = vector.shape_cast %reduce_sum3A_253 : vector<256xf32> to vector<256x1xf32>
      %add3A_255 = arith.addf %while3A_184, %broadcast_in_dim3A_254 : vector<256x1xf32>
      %slice3A_256 = vector.extract_strided_slice %get3A_222 {offsets = [0, 64], sizes = [256, 64], strides = [1, 1]} : vector<256x1024xbf16> to vector<256x64xbf16>
      %convert_element_type3A_257 = arith.truncf %exp3A_251 : vector<256x256xf32> to vector<256x256xbf16>
      %dot_general3A_258 = arith.constant dense<0.000000e+00> : vector<256x64xf32>
      %dot_general3A_259 = tpu.matmul %convert_element_type3A_257, %slice3A_256, %dot_general3A_258 {dimension_numbers = #tpu.dot_dimension_numbers<[1], [0], [0], [1], [0, 0, 1, 1], [], []>, transpose_lhs_hint = false} : vector<256x256xbf16>, vector<256x64xbf16>, vector<256x64xf32> -> vector<256x64xf32>
      %add3A_260 = arith.addf %while3A_185, %dot_general3A_259 : vector<256x64xf32>
      %slice3A_261 = vector.extract_strided_slice %get3A_217 {offsets = [0, 128], sizes = [256, 64], strides = [1, 1]} : vector<256x1024xbf16> to vector<256x64xbf16>
      %dot_general3A_262 = arith.constant dense<0.000000e+00> : vector<256x256xf32>
      %dot_general3A_263 = tpu.matmul %get3A_16, %slice3A_261, %dot_general3A_262 {dimension_numbers = #tpu.dot_dimension_numbers<[1], [1], [0], [0], [0, 0, 1, 0], [], []>, transpose_lhs_hint = false} : vector<256x64xbf16>, vector<256x64xbf16>, vector<256x256xf32> -> vector<256x256xf32>
      %mul3A_264 = vector.broadcast %while3A : f32 to vector<256x256xf32>
      %mul3A_265 = arith.mulf %dot_general3A_263, %mul3A_264 : vector<256x256xf32>
      %add3A_266 = arith.addf %mul3A_265, %select_n3A : vector<256x256xf32>
      %exp3A_267 = math.exp %add3A_266 : vector<256x256xf32>
      %reduce_sum3A_268 = arith.constant dense<0.000000e+00> : vector<256xf32>
      %reduce_sum3A_269 = vector.multi_reduction <add>, %exp3A_267, %reduce_sum3A_268 [1] : vector<256x256xf32> to vector<256xf32>
      %broadcast_in_dim3A_270 = vector.shape_cast %reduce_sum3A_269 : vector<256xf32> to vector<256x1xf32>
      %add3A_271 = arith.addf %while3A_186, %broadcast_in_dim3A_270 : vector<256x1xf32>
      %slice3A_272 = vector.extract_strided_slice %get3A_222 {offsets = [0, 128], sizes = [256, 64], strides = [1, 1]} : vector<256x1024xbf16> to vector<256x64xbf16>
      %convert_element_type3A_273 = arith.truncf %exp3A_267 : vector<256x256xf32> to vector<256x256xbf16>
      %dot_general3A_274 = arith.constant dense<0.000000e+00> : vector<256x64xf32>
      %dot_general3A_275 = tpu.matmul %convert_element_type3A_273, %slice3A_272, %dot_general3A_274 {dimension_numbers = #tpu.dot_dimension_numbers<[1], [0], [0], [1], [0, 0, 1, 1], [], []>, transpose_lhs_hint = false} : vector<256x256xbf16>, vector<256x64xbf16>, vector<256x64xf32> -> vector<256x64xf32>
      %add3A_276 = arith.addf %while3A_187, %dot_general3A_275 : vector<256x64xf32>
      %slice3A_277 = vector.extract_strided_slice %get3A_217 {offsets = [0, 192], sizes = [256, 64], strides = [1, 1]} : vector<256x1024xbf16> to vector<256x64xbf16>
      %dot_general3A_278 = arith.constant dense<0.000000e+00> : vector<256x256xf32>
      %dot_general3A_279 = tpu.matmul %get3A_19, %slice3A_277, %dot_general3A_278 {dimension_numbers = #tpu.dot_dimension_numbers<[1], [1], [0], [0], [0, 0, 1, 0], [], []>, transpose_lhs_hint = false} : vector<256x64xbf16>, vector<256x64xbf16>, vector<256x256xf32> -> vector<256x256xf32>
      %mul3A_280 = vector.broadcast %while3A : f32 to vector<256x256xf32>
      %mul3A_281 = arith.mulf %dot_general3A_279, %mul3A_280 : vector<256x256xf32>
      %add3A_282 = arith.addf %mul3A_281, %select_n3A : vector<256x256xf32>
      %exp3A_283 = math.exp %add3A_282 : vector<256x256xf32>
      %reduce_sum3A_284 = arith.constant dense<0.000000e+00> : vector<256xf32>
      %reduce_sum3A_285 = vector.multi_reduction <add>, %exp3A_283, %reduce_sum3A_284 [1] : vector<256x256xf32> to vector<256xf32>
      %broadcast_in_dim3A_286 = vector.shape_cast %reduce_sum3A_285 : vector<256xf32> to vector<256x1xf32>
      %add3A_287 = arith.addf %while3A_188, %broadcast_in_dim3A_286 : vector<256x1xf32>
      %slice3A_288 = vector.extract_strided_slice %get3A_222 {offsets = [0, 192], sizes = [256, 64], strides = [1, 1]} : vector<256x1024xbf16> to vector<256x64xbf16>
      %convert_element_type3A_289 = arith.truncf %exp3A_283 : vector<256x256xf32> to vector<256x256xbf16>
      %dot_general3A_290 = arith.constant dense<0.000000e+00> : vector<256x64xf32>
      %dot_general3A_291 = tpu.matmul %convert_element_type3A_289, %slice3A_288, %dot_general3A_290 {dimension_numbers = #tpu.dot_dimension_numbers<[1], [0], [0], [1], [0, 0, 1, 1], [], []>, transpose_lhs_hint = false} : vector<256x256xbf16>, vector<256x64xbf16>, vector<256x64xf32> -> vector<256x64xf32>
      %add3A_292 = arith.addf %while3A_189, %dot_general3A_291 : vector<256x64xf32>
      %slice3A_293 = vector.extract_strided_slice %get3A_217 {offsets = [0, 256], sizes = [256, 64], strides = [1, 1]} : vector<256x1024xbf16> to vector<256x64xbf16>
      %dot_general3A_294 = arith.constant dense<0.000000e+00> : vector<256x256xf32>
      %dot_general3A_295 = tpu.matmul %get3A_22, %slice3A_293, %dot_general3A_294 {dimension_numbers = #tpu.dot_dimension_numbers<[1], [1], [0], [0], [0, 0, 1, 0], [], []>, transpose_lhs_hint = false} : vector<256x64xbf16>, vector<256x64xbf16>, vector<256x256xf32> -> vector<256x256xf32>
      %mul3A_296 = vector.broadcast %while3A : f32 to vector<256x256xf32>
      %mul3A_297 = arith.mulf %dot_general3A_295, %mul3A_296 : vector<256x256xf32>
      %add3A_298 = arith.addf %mul3A_297, %select_n3A : vector<256x256xf32>
      %exp3A_299 = math.exp %add3A_298 : vector<256x256xf32>
      %reduce_sum3A_300 = arith.constant dense<0.000000e+00> : vector<256xf32>
      %reduce_sum3A_301 = vector.multi_reduction <add>, %exp3A_299, %reduce_sum3A_300 [1] : vector<256x256xf32> to vector<256xf32>
      %broadcast_in_dim3A_302 = vector.shape_cast %reduce_sum3A_301 : vector<256xf32> to vector<256x1xf32>
      %add3A_303 = arith.addf %while3A_190, %broadcast_in_dim3A_302 : vector<256x1xf32>
      %slice3A_304 = vector.extract_strided_slice %get3A_222 {offsets = [0, 256], sizes = [256, 64], strides = [1, 1]} : vector<256x1024xbf16> to vector<256x64xbf16>
      %convert_element_type3A_305 = arith.truncf %exp3A_299 : vector<256x256xf32> to vector<256x256xbf16>
      %dot_general3A_306 = arith.constant dense<0.000000e+00> : vector<256x64xf32>
      %dot_general3A_307 = tpu.matmul %convert_element_type3A_305, %slice3A_304, %dot_general3A_306 {dimension_numbers = #tpu.dot_dimension_numbers<[1], [0], [0], [1], [0, 0, 1, 1], [], []>, transpose_lhs_hint = false} : vector<256x256xbf16>, vector<256x64xbf16>, vector<256x64xf32> -> vector<256x64xf32>
      %add3A_308 = arith.addf %while3A_191, %dot_general3A_307 : vector<256x64xf32>
      %slice3A_309 = vector.extract_strided_slice %get3A_217 {offsets = [0, 320], sizes = [256, 64], strides = [1, 1]} : vector<256x1024xbf16> to vector<256x64xbf16>
      %dot_general3A_310 = arith.constant dense<0.000000e+00> : vector<256x256xf32>
      %dot_general3A_311 = tpu.matmul %get3A_25, %slice3A_309, %dot_general3A_310 {dimension_numbers = #tpu.dot_dimension_numbers<[1], [1], [0], [0], [0, 0, 1, 0], [], []>, transpose_lhs_hint = false} : vector<256x64xbf16>, vector<256x64xbf16>, vector<256x256xf32> -> vector<256x256xf32>
      %mul3A_312 = vector.broadcast %while3A : f32 to vector<256x256xf32>
      %mul3A_313 = arith.mulf %dot_general3A_311, %mul3A_312 : vector<256x256xf32>
      %add3A_314 = arith.addf %mul3A_313, %select_n3A : vector<256x256xf32>
      %exp3A_315 = math.exp %add3A_314 : vector<256x256xf32>
      %reduce_sum3A_316 = arith.constant dense<0.000000e+00> : vector<256xf32>
      %reduce_sum3A_317 = vector.multi_reduction <add>, %exp3A_315, %reduce_sum3A_316 [1] : vector<256x256xf32> to vector<256xf32>
      %broadcast_in_dim3A_318 = vector.shape_cast %reduce_sum3A_317 : vector<256xf32> to vector<256x1xf32>
      %add3A_319 = arith.addf %while3A_192, %broadcast_in_dim3A_318 : vector<256x1xf32>
      %slice3A_320 = vector.extract_strided_slice %get3A_222 {offsets = [0, 320], sizes = [256, 64], strides = [1, 1]} : vector<256x1024xbf16> to vector<256x64xbf16>
      %convert_element_type3A_321 = arith.truncf %exp3A_315 : vector<256x256xf32> to vector<256x256xbf16>
      %dot_general3A_322 = arith.constant dense<0.000000e+00> : vector<256x64xf32>
      %dot_general3A_323 = tpu.matmul %convert_element_type3A_321, %slice3A_320, %dot_general3A_322 {dimension_numbers = #tpu.dot_dimension_numbers<[1], [0], [0], [1], [0, 0, 1, 1], [], []>, transpose_lhs_hint = false} : vector<256x256xbf16>, vector<256x64xbf16>, vector<256x64xf32> -> vector<256x64xf32>
      %add3A_324 = arith.addf %while3A_193, %dot_general3A_323 : vector<256x64xf32>
      %slice3A_325 = vector.extract_strided_slice %get3A_217 {offsets = [0, 384], sizes = [256, 64], strides = [1, 1]} : vector<256x1024xbf16> to vector<256x64xbf16>
      %dot_general3A_326 = arith.constant dense<0.000000e+00> : vector<256x256xf32>
      %dot_general3A_327 = tpu.matmul %get3A_28, %slice3A_325, %dot_general3A_326 {dimension_numbers = #tpu.dot_dimension_numbers<[1], [1], [0], [0], [0, 0, 1, 0], [], []>, transpose_lhs_hint = false} : vector<256x64xbf16>, vector<256x64xbf16>, vector<256x256xf32> -> vector<256x256xf32>
      %mul3A_328 = vector.broadcast %while3A : f32 to vector<256x256xf32>
      %mul3A_329 = arith.mulf %dot_general3A_327, %mul3A_328 : vector<256x256xf32>
      %add3A_330 = arith.addf %mul3A_329, %select_n3A : vector<256x256xf32>
      %exp3A_331 = math.exp %add3A_330 : vector<256x256xf32>
      %reduce_sum3A_332 = arith.constant dense<0.000000e+00> : vector<256xf32>
      %reduce_sum3A_333 = vector.multi_reduction <add>, %exp3A_331, %reduce_sum3A_332 [1] : vector<256x256xf32> to vector<256xf32>
      %broadcast_in_dim3A_334 = vector.shape_cast %reduce_sum3A_333 : vector<256xf32> to vector<256x1xf32>
      %add3A_335 = arith.addf %while3A_194, %broadcast_in_dim3A_334 : vector<256x1xf32>
      %slice3A_336 = vector.extract_strided_slice %get3A_222 {offsets = [0, 384], sizes = [256, 64], strides = [1, 1]} : vector<256x1024xbf16> to vector<256x64xbf16>
      %convert_element_type3A_337 = arith.truncf %exp3A_331 : vector<256x256xf32> to vector<256x256xbf16>
      %dot_general3A_338 = arith.constant dense<0.000000e+00> : vector<256x64xf32>
      %dot_general3A_339 = tpu.matmul %convert_element_type3A_337, %slice3A_336, %dot_general3A_338 {dimension_numbers = #tpu.dot_dimension_numbers<[1], [0], [0], [1], [0, 0, 1, 1], [], []>, transpose_lhs_hint = false} : vector<256x256xbf16>, vector<256x64xbf16>, vector<256x64xf32> -> vector<256x64xf32>
      %add3A_340 = arith.addf %while3A_195, %dot_general3A_339 : vector<256x64xf32>
      %slice3A_341 = vector.extract_strided_slice %get3A_217 {offsets = [0, 448], sizes = [256, 64], strides = [1, 1]} : vector<256x1024xbf16> to vector<256x64xbf16>
      %dot_general3A_342 = arith.constant dense<0.000000e+00> : vector<256x256xf32>
      %dot_general3A_343 = tpu.matmul %get3A_31, %slice3A_341, %dot_general3A_342 {dimension_numbers = #tpu.dot_dimension_numbers<[1], [1], [0], [0], [0, 0, 1, 0], [], []>, transpose_lhs_hint = false} : vector<256x64xbf16>, vector<256x64xbf16>, vector<256x256xf32> -> vector<256x256xf32>
      %mul3A_344 = vector.broadcast %while3A : f32 to vector<256x256xf32>
      %mul3A_345 = arith.mulf %dot_general3A_343, %mul3A_344 : vector<256x256xf32>
      %add3A_346 = arith.addf %mul3A_345, %select_n3A : vector<256x256xf32>
      %exp3A_347 = math.exp %add3A_346 : vector<256x256xf32>
      %reduce_sum3A_348 = arith.constant dense<0.000000e+00> : vector<256xf32>
      %reduce_sum3A_349 = vector.multi_reduction <add>, %exp3A_347, %reduce_sum3A_348 [1] : vector<256x256xf32> to vector<256xf32>
      %broadcast_in_dim3A_350 = vector.shape_cast %reduce_sum3A_349 : vector<256xf32> to vector<256x1xf32>
      %add3A_351 = arith.addf %while3A_196, %broadcast_in_dim3A_350 : vector<256x1xf32>
      %slice3A_352 = vector.extract_strided_slice %get3A_222 {offsets = [0, 448], sizes = [256, 64], strides = [1, 1]} : vector<256x1024xbf16> to vector<256x64xbf16>
      %convert_element_type3A_353 = arith.truncf %exp3A_347 : vector<256x256xf32> to vector<256x256xbf16>
      %dot_general3A_354 = arith.constant dense<0.000000e+00> : vector<256x64xf32>
      %dot_general3A_355 = tpu.matmul %convert_element_type3A_353, %slice3A_352, %dot_general3A_354 {dimension_numbers = #tpu.dot_dimension_numbers<[1], [0], [0], [1], [0, 0, 1, 1], [], []>, transpose_lhs_hint = false} : vector<256x256xbf16>, vector<256x64xbf16>, vector<256x64xf32> -> vector<256x64xf32>
      %add3A_356 = arith.addf %while3A_197, %dot_general3A_355 : vector<256x64xf32>
      %slice3A_357 = vector.extract_strided_slice %get3A_217 {offsets = [0, 512], sizes = [256, 64], strides = [1, 1]} : vector<256x1024xbf16> to vector<256x64xbf16>
      %dot_general3A_358 = arith.constant dense<0.000000e+00> : vector<256x256xf32>
      %dot_general3A_359 = tpu.matmul %get3A_34, %slice3A_357, %dot_general3A_358 {dimension_numbers = #tpu.dot_dimension_numbers<[1], [1], [0], [0], [0, 0, 1, 0], [], []>, transpose_lhs_hint = false} : vector<256x64xbf16>, vector<256x64xbf16>, vector<256x256xf32> -> vector<256x256xf32>
      %mul3A_360 = vector.broadcast %while3A : f32 to vector<256x256xf32>
      %mul3A_361 = arith.mulf %dot_general3A_359, %mul3A_360 : vector<256x256xf32>
      %add3A_362 = arith.addf %mul3A_361, %select_n3A : vector<256x256xf32>
      %exp3A_363 = math.exp %add3A_362 : vector<256x256xf32>
      %reduce_sum3A_364 = arith.constant dense<0.000000e+00> : vector<256xf32>
      %reduce_sum3A_365 = vector.multi_reduction <add>, %exp3A_363, %reduce_sum3A_364 [1] : vector<256x256xf32> to vector<256xf32>
      %broadcast_in_dim3A_366 = vector.shape_cast %reduce_sum3A_365 : vector<256xf32> to vector<256x1xf32>
      %add3A_367 = arith.addf %while3A_198, %broadcast_in_dim3A_366 : vector<256x1xf32>
      %slice3A_368 = vector.extract_strided_slice %get3A_222 {offsets = [0, 512], sizes = [256, 64], strides = [1, 1]} : vector<256x1024xbf16> to vector<256x64xbf16>
      %convert_element_type3A_369 = arith.truncf %exp3A_363 : vector<256x256xf32> to vector<256x256xbf16>
      %dot_general3A_370 = arith.constant dense<0.000000e+00> : vector<256x64xf32>
      %dot_general3A_371 = tpu.matmul %convert_element_type3A_369, %slice3A_368, %dot_general3A_370 {dimension_numbers = #tpu.dot_dimension_numbers<[1], [0], [0], [1], [0, 0, 1, 1], [], []>, transpose_lhs_hint = false} : vector<256x256xbf16>, vector<256x64xbf16>, vector<256x64xf32> -> vector<256x64xf32>
      %add3A_372 = arith.addf %while3A_199, %dot_general3A_371 : vector<256x64xf32>
      %slice3A_373 = vector.extract_strided_slice %get3A_217 {offsets = [0, 576], sizes = [256, 64], strides = [1, 1]} : vector<256x1024xbf16> to vector<256x64xbf16>
      %dot_general3A_374 = arith.constant dense<0.000000e+00> : vector<256x256xf32>
      %dot_general3A_375 = tpu.matmul %get3A_37, %slice3A_373, %dot_general3A_374 {dimension_numbers = #tpu.dot_dimension_numbers<[1], [1], [0], [0], [0, 0, 1, 0], [], []>, transpose_lhs_hint = false} : vector<256x64xbf16>, vector<256x64xbf16>, vector<256x256xf32> -> vector<256x256xf32>
      %mul3A_376 = vector.broadcast %while3A : f32 to vector<256x256xf32>
      %mul3A_377 = arith.mulf %dot_general3A_375, %mul3A_376 : vector<256x256xf32>
      %add3A_378 = arith.addf %mul3A_377, %select_n3A : vector<256x256xf32>
      %exp3A_379 = math.exp %add3A_378 : vector<256x256xf32>
      %reduce_sum3A_380 = arith.constant dense<0.000000e+00> : vector<256xf32>
      %reduce_sum3A_381 = vector.multi_reduction <add>, %exp3A_379, %reduce_sum3A_380 [1] : vector<256x256xf32> to vector<256xf32>
      %broadcast_in_dim3A_382 = vector.shape_cast %reduce_sum3A_381 : vector<256xf32> to vector<256x1xf32>
      %add3A_383 = arith.addf %while3A_200, %broadcast_in_dim3A_382 : vector<256x1xf32>
      %slice3A_384 = vector.extract_strided_slice %get3A_222 {offsets = [0, 576], sizes = [256, 64], strides = [1, 1]} : vector<256x1024xbf16> to vector<256x64xbf16>
      %convert_element_type3A_385 = arith.truncf %exp3A_379 : vector<256x256xf32> to vector<256x256xbf16>
      %dot_general3A_386 = arith.constant dense<0.000000e+00> : vector<256x64xf32>
      %dot_general3A_387 = tpu.matmul %convert_element_type3A_385, %slice3A_384, %dot_general3A_386 {dimension_numbers = #tpu.dot_dimension_numbers<[1], [0], [0], [1], [0, 0, 1, 1], [], []>, transpose_lhs_hint = false} : vector<256x256xbf16>, vector<256x64xbf16>, vector<256x64xf32> -> vector<256x64xf32>
      %add3A_388 = arith.addf %while3A_201, %dot_general3A_387 : vector<256x64xf32>
      %slice3A_389 = vector.extract_strided_slice %get3A_217 {offsets = [0, 640], sizes = [256, 64], strides = [1, 1]} : vector<256x1024xbf16> to vector<256x64xbf16>
      %dot_general3A_390 = arith.constant dense<0.000000e+00> : vector<256x256xf32>
      %dot_general3A_391 = tpu.matmul %get3A_40, %slice3A_389, %dot_general3A_390 {dimension_numbers = #tpu.dot_dimension_numbers<[1], [1], [0], [0], [0, 0, 1, 0], [], []>, transpose_lhs_hint = false} : vector<256x64xbf16>, vector<256x64xbf16>, vector<256x256xf32> -> vector<256x256xf32>
      %mul3A_392 = vector.broadcast %while3A : f32 to vector<256x256xf32>
      %mul3A_393 = arith.mulf %dot_general3A_391, %mul3A_392 : vector<256x256xf32>
      %add3A_394 = arith.addf %mul3A_393, %select_n3A : vector<256x256xf32>
      %exp3A_395 = math.exp %add3A_394 : vector<256x256xf32>
      %reduce_sum3A_396 = arith.constant dense<0.000000e+00> : vector<256xf32>
      %reduce_sum3A_397 = vector.multi_reduction <add>, %exp3A_395, %reduce_sum3A_396 [1] : vector<256x256xf32> to vector<256xf32>
      %broadcast_in_dim3A_398 = vector.shape_cast %reduce_sum3A_397 : vector<256xf32> to vector<256x1xf32>
      %add3A_399 = arith.addf %while3A_202, %broadcast_in_dim3A_398 : vector<256x1xf32>
      %slice3A_400 = vector.extract_strided_slice %get3A_222 {offsets = [0, 640], sizes = [256, 64], strides = [1, 1]} : vector<256x1024xbf16> to vector<256x64xbf16>
      %convert_element_type3A_401 = arith.truncf %exp3A_395 : vector<256x256xf32> to vector<256x256xbf16>
      %dot_general3A_402 = arith.constant dense<0.000000e+00> : vector<256x64xf32>
      %dot_general3A_403 = tpu.matmul %convert_element_type3A_401, %slice3A_400, %dot_general3A_402 {dimension_numbers = #tpu.dot_dimension_numbers<[1], [0], [0], [1], [0, 0, 1, 1], [], []>, transpose_lhs_hint = false} : vector<256x256xbf16>, vector<256x64xbf16>, vector<256x64xf32> -> vector<256x64xf32>
      %add3A_404 = arith.addf %while3A_203, %dot_general3A_403 : vector<256x64xf32>
      %slice3A_405 = vector.extract_strided_slice %get3A_217 {offsets = [0, 704], sizes = [256, 64], strides = [1, 1]} : vector<256x1024xbf16> to vector<256x64xbf16>
      %dot_general3A_406 = arith.constant dense<0.000000e+00> : vector<256x256xf32>
      %dot_general3A_407 = tpu.matmul %get3A_43, %slice3A_405, %dot_general3A_406 {dimension_numbers = #tpu.dot_dimension_numbers<[1], [1], [0], [0], [0, 0, 1, 0], [], []>, transpose_lhs_hint = false} : vector<256x64xbf16>, vector<256x64xbf16>, vector<256x256xf32> -> vector<256x256xf32>
      %mul3A_408 = vector.broadcast %while3A : f32 to vector<256x256xf32>
      %mul3A_409 = arith.mulf %dot_general3A_407, %mul3A_408 : vector<256x256xf32>
      %add3A_410 = arith.addf %mul3A_409, %select_n3A : vector<256x256xf32>
      %exp3A_411 = math.exp %add3A_410 : vector<256x256xf32>
      %reduce_sum3A_412 = arith.constant dense<0.000000e+00> : vector<256xf32>
      %reduce_sum3A_413 = vector.multi_reduction <add>, %exp3A_411, %reduce_sum3A_412 [1] : vector<256x256xf32> to vector<256xf32>
      %broadcast_in_dim3A_414 = vector.shape_cast %reduce_sum3A_413 : vector<256xf32> to vector<256x1xf32>
      %add3A_415 = arith.addf %while3A_204, %broadcast_in_dim3A_414 : vector<256x1xf32>
      %slice3A_416 = vector.extract_strided_slice %get3A_222 {offsets = [0, 704], sizes = [256, 64], strides = [1, 1]} : vector<256x1024xbf16> to vector<256x64xbf16>
      %convert_element_type3A_417 = arith.truncf %exp3A_411 : vector<256x256xf32> to vector<256x256xbf16>
      %dot_general3A_418 = arith.constant dense<0.000000e+00> : vector<256x64xf32>
      %dot_general3A_419 = tpu.matmul %convert_element_type3A_417, %slice3A_416, %dot_general3A_418 {dimension_numbers = #tpu.dot_dimension_numbers<[1], [0], [0], [1], [0, 0, 1, 1], [], []>, transpose_lhs_hint = false} : vector<256x256xbf16>, vector<256x64xbf16>, vector<256x64xf32> -> vector<256x64xf32>
      %add3A_420 = arith.addf %while3A_205, %dot_general3A_419 : vector<256x64xf32>
      %slice3A_421 = vector.extract_strided_slice %get3A_217 {offsets = [0, 768], sizes = [256, 64], strides = [1, 1]} : vector<256x1024xbf16> to vector<256x64xbf16>
      %dot_general3A_422 = arith.constant dense<0.000000e+00> : vector<256x256xf32>
      %dot_general3A_423 = tpu.matmul %get3A_46, %slice3A_421, %dot_general3A_422 {dimension_numbers = #tpu.dot_dimension_numbers<[1], [1], [0], [0], [0, 0, 1, 0], [], []>, transpose_lhs_hint = false} : vector<256x64xbf16>, vector<256x64xbf16>, vector<256x256xf32> -> vector<256x256xf32>
      %mul3A_424 = vector.broadcast %while3A : f32 to vector<256x256xf32>
      %mul3A_425 = arith.mulf %dot_general3A_423, %mul3A_424 : vector<256x256xf32>
      %add3A_426 = arith.addf %mul3A_425, %select_n3A : vector<256x256xf32>
      %exp3A_427 = math.exp %add3A_426 : vector<256x256xf32>
      %reduce_sum3A_428 = arith.constant dense<0.000000e+00> : vector<256xf32>
      %reduce_sum3A_429 = vector.multi_reduction <add>, %exp3A_427, %reduce_sum3A_428 [1] : vector<256x256xf32> to vector<256xf32>
      %broadcast_in_dim3A_430 = vector.shape_cast %reduce_sum3A_429 : vector<256xf32> to vector<256x1xf32>
      %add3A_431 = arith.addf %while3A_206, %broadcast_in_dim3A_430 : vector<256x1xf32>
      %slice3A_432 = vector.extract_strided_slice %get3A_222 {offsets = [0, 768], sizes = [256, 64], strides = [1, 1]} : vector<256x1024xbf16> to vector<256x64xbf16>
      %convert_element_type3A_433 = arith.truncf %exp3A_427 : vector<256x256xf32> to vector<256x256xbf16>
      %dot_general3A_434 = arith.constant dense<0.000000e+00> : vector<256x64xf32>
      %dot_general3A_435 = tpu.matmul %convert_element_type3A_433, %slice3A_432, %dot_general3A_434 {dimension_numbers = #tpu.dot_dimension_numbers<[1], [0], [0], [1], [0, 0, 1, 1], [], []>, transpose_lhs_hint = false} : vector<256x256xbf16>, vector<256x64xbf16>, vector<256x64xf32> -> vector<256x64xf32>
      %add3A_436 = arith.addf %while3A_207, %dot_general3A_435 : vector<256x64xf32>
      %slice3A_437 = vector.extract_strided_slice %get3A_217 {offsets = [0, 832], sizes = [256, 64], strides = [1, 1]} : vector<256x1024xbf16> to vector<256x64xbf16>
      %dot_general3A_438 = arith.constant dense<0.000000e+00> : vector<256x256xf32>
      %dot_general3A_439 = tpu.matmul %get3A_49, %slice3A_437, %dot_general3A_438 {dimension_numbers = #tpu.dot_dimension_numbers<[1], [1], [0], [0], [0, 0, 1, 0], [], []>, transpose_lhs_hint = false} : vector<256x64xbf16>, vector<256x64xbf16>, vector<256x256xf32> -> vector<256x256xf32>
      %mul3A_440 = vector.broadcast %while3A : f32 to vector<256x256xf32>
      %mul3A_441 = arith.mulf %dot_general3A_439, %mul3A_440 : vector<256x256xf32>
      %add3A_442 = arith.addf %mul3A_441, %select_n3A : vector<256x256xf32>
      %exp3A_443 = math.exp %add3A_442 : vector<256x256xf32>
      %reduce_sum3A_444 = arith.constant dense<0.000000e+00> : vector<256xf32>
      %reduce_sum3A_445 = vector.multi_reduction <add>, %exp3A_443, %reduce_sum3A_444 [1] : vector<256x256xf32> to vector<256xf32>
      %broadcast_in_dim3A_446 = vector.shape_cast %reduce_sum3A_445 : vector<256xf32> to vector<256x1xf32>
      %add3A_447 = arith.addf %while3A_208, %broadcast_in_dim3A_446 : vector<256x1xf32>
      %slice3A_448 = vector.extract_strided_slice %get3A_222 {offsets = [0, 832], sizes = [256, 64], strides = [1, 1]} : vector<256x1024xbf16> to vector<256x64xbf16>
      %convert_element_type3A_449 = arith.truncf %exp3A_443 : vector<256x256xf32> to vector<256x256xbf16>
      %dot_general3A_450 = arith.constant dense<0.000000e+00> : vector<256x64xf32>
      %dot_general3A_451 = tpu.matmul %convert_element_type3A_449, %slice3A_448, %dot_general3A_450 {dimension_numbers = #tpu.dot_dimension_numbers<[1], [0], [0], [1], [0, 0, 1, 1], [], []>, transpose_lhs_hint = false} : vector<256x256xbf16>, vector<256x64xbf16>, vector<256x64xf32> -> vector<256x64xf32>
      %add3A_452 = arith.addf %while3A_209, %dot_general3A_451 : vector<256x64xf32>
      %slice3A_453 = vector.extract_strided_slice %get3A_217 {offsets = [0, 896], sizes = [256, 64], strides = [1, 1]} : vector<256x1024xbf16> to vector<256x64xbf16>
      %dot_general3A_454 = arith.constant dense<0.000000e+00> : vector<256x256xf32>
      %dot_general3A_455 = tpu.matmul %get3A_52, %slice3A_453, %dot_general3A_454 {dimension_numbers = #tpu.dot_dimension_numbers<[1], [1], [0], [0], [0, 0, 1, 0], [], []>, transpose_lhs_hint = false} : vector<256x64xbf16>, vector<256x64xbf16>, vector<256x256xf32> -> vector<256x256xf32>
      %mul3A_456 = vector.broadcast %while3A : f32 to vector<256x256xf32>
      %mul3A_457 = arith.mulf %dot_general3A_455, %mul3A_456 : vector<256x256xf32>
      %add3A_458 = arith.addf %mul3A_457, %select_n3A : vector<256x256xf32>
      %exp3A_459 = math.exp %add3A_458 : vector<256x256xf32>
      %reduce_sum3A_460 = arith.constant dense<0.000000e+00> : vector<256xf32>
      %reduce_sum3A_461 = vector.multi_reduction <add>, %exp3A_459, %reduce_sum3A_460 [1] : vector<256x256xf32> to vector<256xf32>
      %broadcast_in_dim3A_462 = vector.shape_cast %reduce_sum3A_461 : vector<256xf32> to vector<256x1xf32>
      %add3A_463 = arith.addf %while3A_210, %broadcast_in_dim3A_462 : vector<256x1xf32>
      %slice3A_464 = vector.extract_strided_slice %get3A_222 {offsets = [0, 896], sizes = [256, 64], strides = [1, 1]} : vector<256x1024xbf16> to vector<256x64xbf16>
      %convert_element_type3A_465 = arith.truncf %exp3A_459 : vector<256x256xf32> to vector<256x256xbf16>
      %dot_general3A_466 = arith.constant dense<0.000000e+00> : vector<256x64xf32>
      %dot_general3A_467 = tpu.matmul %convert_element_type3A_465, %slice3A_464, %dot_general3A_466 {dimension_numbers = #tpu.dot_dimension_numbers<[1], [0], [0], [1], [0, 0, 1, 1], [], []>, transpose_lhs_hint = false} : vector<256x256xbf16>, vector<256x64xbf16>, vector<256x64xf32> -> vector<256x64xf32>
      %add3A_468 = arith.addf %while3A_211, %dot_general3A_467 : vector<256x64xf32>
      %slice3A_469 = vector.extract_strided_slice %get3A_217 {offsets = [0, 960], sizes = [256, 64], strides = [1, 1]} : vector<256x1024xbf16> to vector<256x64xbf16>
      %dot_general3A_470 = arith.constant dense<0.000000e+00> : vector<256x256xf32>
      %dot_general3A_471 = tpu.matmul %get3A_55, %slice3A_469, %dot_general3A_470 {dimension_numbers = #tpu.dot_dimension_numbers<[1], [1], [0], [0], [0, 0, 1, 0], [], []>, transpose_lhs_hint = false} : vector<256x64xbf16>, vector<256x64xbf16>, vector<256x256xf32> -> vector<256x256xf32>
      %mul3A_472 = vector.broadcast %while3A : f32 to vector<256x256xf32>
      %mul3A_473 = arith.mulf %dot_general3A_471, %mul3A_472 : vector<256x256xf32>
      %add3A_474 = arith.addf %mul3A_473, %select_n3A : vector<256x256xf32>
      %exp3A_475 = math.exp %add3A_474 : vector<256x256xf32>
      %reduce_sum3A_476 = arith.constant dense<0.000000e+00> : vector<256xf32>
      %reduce_sum3A_477 = vector.multi_reduction <add>, %exp3A_475, %reduce_sum3A_476 [1] : vector<256x256xf32> to vector<256xf32>
      %broadcast_in_dim3A_478 = vector.shape_cast %reduce_sum3A_477 : vector<256xf32> to vector<256x1xf32>
      %add3A_479 = arith.addf %while3A_212, %broadcast_in_dim3A_478 : vector<256x1xf32>
      %slice3A_480 = vector.extract_strided_slice %get3A_222 {offsets = [0, 960], sizes = [256, 64], strides = [1, 1]} : vector<256x1024xbf16> to vector<256x64xbf16>
      %convert_element_type3A_481 = arith.truncf %exp3A_475 : vector<256x256xf32> to vector<256x256xbf16>
      %dot_general3A_482 = arith.constant dense<0.000000e+00> : vector<256x64xf32>
      %dot_general3A_483 = tpu.matmul %convert_element_type3A_481, %slice3A_480, %dot_general3A_482 {dimension_numbers = #tpu.dot_dimension_numbers<[1], [0], [0], [1], [0, 0, 1, 1], [], []>, transpose_lhs_hint = false} : vector<256x256xbf16>, vector<256x64xbf16>, vector<256x64xf32> -> vector<256x64xf32>
      %add3A_484 = arith.addf %while3A_213, %dot_general3A_483 : vector<256x64xf32>
      scf.yield %add3A_239, %add3A_244, %add3A_255, %add3A_260, %add3A_271, %add3A_276, %add3A_287, %add3A_292, %add3A_303, %add3A_308, %add3A_319, %add3A_324, %add3A_335, %add3A_340, %add3A_351, %add3A_356, %add3A_367, %add3A_372, %add3A_383, %add3A_388, %add3A_399, %add3A_404, %add3A_415, %add3A_420, %add3A_431, %add3A_436, %add3A_447, %add3A_452, %add3A_463, %add3A_468, %add3A_479, %add3A_484 : vector<256x1xf32>, vector<256x64xf32>, vector<256x1xf32>, vector<256x64xf32>, vector<256x1xf32>, vector<256x64xf32>, vector<256x1xf32>, vector<256x64xf32>, vector<256x1xf32>, vector<256x64xf32>, vector<256x1xf32>, vector<256x64xf32>, vector<256x1xf32>, vector<256x64xf32>, vector<256x1xf32>, vector<256x64xf32>, vector<256x1xf32>, vector<256x64xf32>, vector<256x1xf32>, vector<256x64xf32>, vector<256x1xf32>, vector<256x64xf32>, vector<256x1xf32>, vector<256x64xf32>, vector<256x1xf32>, vector<256x64xf32>, vector<256x1xf32>, vector<256x64xf32>, vector<256x1xf32>, vector<256x64xf32>, vector<256x1xf32>, vector<256x64xf32>
    }
    %while3A_127 = arith.constant 1 : i32
    %while3A_128:32 = scf.for %while3A_181 = %while3A_124 to %while3A_120 step %while3A_127 iter_args(%while3A_182 = %while3A_126#0, %while3A_183 = %while3A_126#1, %while3A_184 = %while3A_126#2, %while3A_185 = %while3A_126#3, %while3A_186 = %while3A_126#4, %while3A_187 = %while3A_126#5, %while3A_188 = %while3A_126#6, %while3A_189 = %while3A_126#7, %while3A_190 = %while3A_126#8, %while3A_191 = %while3A_126#9, %while3A_192 = %while3A_126#10, %while3A_193 = %while3A_126#11, %while3A_194 = %while3A_126#12, %while3A_195 = %while3A_126#13, %while3A_196 = %while3A_126#14, %while3A_197 = %while3A_126#15, %while3A_198 = %while3A_126#16, %while3A_199 = %while3A_126#17, %while3A_200 = %while3A_126#18, %while3A_201 = %while3A_126#19, %while3A_202 = %while3A_126#20, %while3A_203 = %while3A_126#21, %while3A_204 = %while3A_126#22, %while3A_205 = %while3A_126#23, %while3A_206 = %while3A_126#24, %while3A_207 = %while3A_126#25, %while3A_208 = %while3A_126#26, %while3A_209 = %while3A_126#27, %while3A_210 = %while3A_126#28, %while3A_211 = %while3A_126#29, %while3A_212 = %while3A_126#30, %while3A_213 = %while3A_126#31) -> (vector<256x1xf32>, vector<256x64xf32>, vector<256x1xf32>, vector<256x64xf32>, vector<256x1xf32>, vector<256x64xf32>, vector<256x1xf32>, vector<256x64xf32>, vector<256x1xf32>, vector<256x64xf32>, vector<256x1xf32>, vector<256x64xf32>, vector<256x1xf32>, vector<256x64xf32>, vector<256x1xf32>, vector<256x64xf32>, vector<256x1xf32>, vector<256x64xf32>, vector<256x1xf32>, vector<256x64xf32>, vector<256x1xf32>, vector<256x64xf32>, vector<256x1xf32>, vector<256x64xf32>, vector<256x1xf32>, vector<256x64xf32>, vector<256x1xf32>, vector<256x64xf32>, vector<256x1xf32>, vector<256x64xf32>, vector<256x1xf32>, vector<256x64xf32>)  : i32 {
      %mul3A = arith.constant 256 : i32
      %mul3A_214 = arith.muli %while3A_181, %mul3A : i32
      %get3A_215 = arith.index_cast %mul3A_214 : i32 to index
      %get3A_216 = arith.constant 0 : index
      %get3A_217 = vector.load %arg4[%get3A_215, %get3A_216] : memref<2048x1024xbf16, #tpu.memory_space<vmem>>, vector<256x1024xbf16>
      %mul3A_218 = arith.constant 256 : i32
      %mul3A_219 = arith.muli %while3A_181, %mul3A_218 : i32
      %get3A_220 = arith.index_cast %mul3A_219 : i32 to index
      %get3A_221 = arith.constant 0 : index
      %get3A_222 = vector.load %arg5[%get3A_220, %get3A_221] : memref<2048x1024xbf16, #tpu.memory_space<vmem>>, vector<256x1024xbf16>
      %mul3A_223 = arith.constant 256 : i32
      %mul3A_224 = arith.muli %while3A_181, %mul3A_223 : i32
      %get3A_225 = arith.constant 0 : index
      %get3A_226 = arith.index_cast %mul3A_224 : i32 to index
      %get3A_227 = vector.load %arg7[%get3A_225, %get3A_226] : memref<1x2048xi32, #tpu.memory_space<vmem>>, vector<1x256xi32>
      %eq3A = vector.broadcast %get3A_7 : vector<256x1xi32> to vector<256x256xi32>
      %eq3A_228 = vector.broadcast %get3A_227 : vector<1x256xi32> to vector<256x256xi32>
      %eq3A_229 = arith.cmpi eq, %eq3A, %eq3A_228 : vector<256x256xi32>
      %jit3A = arith.constant 0.000000e+00 : f32
      %jit3A_230 = arith.constant -1.000000e+09 : f32
      %broadcast_in_dim3A_231 = vector.broadcast %jit3A : f32 to vector<256x256xf32>
      %broadcast_in_dim3A_232 = vector.broadcast %jit3A_230 : f32 to vector<256x256xf32>
      %select_n3A = arith.select %eq3A_229, %broadcast_in_dim3A_231, %broadcast_in_dim3A_232 : vector<256x256xi1>, vector<256x256xf32>
      %slice3A = vector.extract_strided_slice %get3A_217 {offsets = [0, 0], sizes = [256, 64], strides = [1, 1]} : vector<256x1024xbf16> to vector<256x64xbf16>
      %dot_general3A_233 = arith.constant dense<0.000000e+00> : vector<256x256xf32>
      %dot_general3A_234 = tpu.matmul %get3A_10, %slice3A, %dot_general3A_233 {dimension_numbers = #tpu.dot_dimension_numbers<[1], [1], [0], [0], [0, 0, 1, 0], [], []>, transpose_lhs_hint = false} : vector<256x64xbf16>, vector<256x64xbf16>, vector<256x256xf32> -> vector<256x256xf32>
      %mul3A_235 = vector.broadcast %while3A : f32 to vector<256x256xf32>
      %mul3A_236 = arith.mulf %dot_general3A_234, %mul3A_235 : vector<256x256xf32>
      %add3A = arith.addf %mul3A_236, %select_n3A : vector<256x256xf32>
      %exp3A = math.exp %add3A : vector<256x256xf32>
      %reduce_sum3A = arith.constant dense<0.000000e+00> : vector<256xf32>
      %reduce_sum3A_237 = vector.multi_reduction <add>, %exp3A, %reduce_sum3A [1] : vector<256x256xf32> to vector<256xf32>
      %broadcast_in_dim3A_238 = vector.shape_cast %reduce_sum3A_237 : vector<256xf32> to vector<256x1xf32>
      %add3A_239 = arith.addf %while3A_182, %broadcast_in_dim3A_238 : vector<256x1xf32>
      %slice3A_240 = vector.extract_strided_slice %get3A_222 {offsets = [0, 0], sizes = [256, 64], strides = [1, 1]} : vector<256x1024xbf16> to vector<256x64xbf16>
      %convert_element_type3A_241 = arith.truncf %exp3A : vector<256x256xf32> to vector<256x256xbf16>
      %dot_general3A_242 = arith.constant dense<0.000000e+00> : vector<256x64xf32>
      %dot_general3A_243 = tpu.matmul %convert_element_type3A_241, %slice3A_240, %dot_general3A_242 {dimension_numbers = #tpu.dot_dimension_numbers<[1], [0], [0], [1], [0, 0, 1, 1], [], []>, transpose_lhs_hint = false} : vector<256x256xbf16>, vector<256x64xbf16>, vector<256x64xf32> -> vector<256x64xf32>
      %add3A_244 = arith.addf %while3A_183, %dot_general3A_243 : vector<256x64xf32>
      %slice3A_245 = vector.extract_strided_slice %get3A_217 {offsets = [0, 64], sizes = [256, 64], strides = [1, 1]} : vector<256x1024xbf16> to vector<256x64xbf16>
      %dot_general3A_246 = arith.constant dense<0.000000e+00> : vector<256x256xf32>
      %dot_general3A_247 = tpu.matmul %get3A_13, %slice3A_245, %dot_general3A_246 {dimension_numbers = #tpu.dot_dimension_numbers<[1], [1], [0], [0], [0, 0, 1, 0], [], []>, transpose_lhs_hint = false} : vector<256x64xbf16>, vector<256x64xbf16>, vector<256x256xf32> -> vector<256x256xf32>
      %mul3A_248 = vector.broadcast %while3A : f32 to vector<256x256xf32>
      %mul3A_249 = arith.mulf %dot_general3A_247, %mul3A_248 : vector<256x256xf32>
      %add3A_250 = arith.addf %mul3A_249, %select_n3A : vector<256x256xf32>
      %exp3A_251 = math.exp %add3A_250 : vector<256x256xf32>
      %reduce_sum3A_252 = arith.constant dense<0.000000e+00> : vector<256xf32>
      %reduce_sum3A_253 = vector.multi_reduction <add>, %exp3A_251, %reduce_sum3A_252 [1] : vector<256x256xf32> to vector<256xf32>
      %broadcast_in_dim3A_254 = vector.shape_cast %reduce_sum3A_253 : vector<256xf32> to vector<256x1xf32>
      %add3A_255 = arith.addf %while3A_184, %broadcast_in_dim3A_254 : vector<256x1xf32>
      %slice3A_256 = vector.extract_strided_slice %get3A_222 {offsets = [0, 64], sizes = [256, 64], strides = [1, 1]} : vector<256x1024xbf16> to vector<256x64xbf16>
      %convert_element_type3A_257 = arith.truncf %exp3A_251 : vector<256x256xf32> to vector<256x256xbf16>
      %dot_general3A_258 = arith.constant dense<0.000000e+00> : vector<256x64xf32>
      %dot_general3A_259 = tpu.matmul %convert_element_type3A_257, %slice3A_256, %dot_general3A_258 {dimension_numbers = #tpu.dot_dimension_numbers<[1], [0], [0], [1], [0, 0, 1, 1], [], []>, transpose_lhs_hint = false} : vector<256x256xbf16>, vector<256x64xbf16>, vector<256x64xf32> -> vector<256x64xf32>
      %add3A_260 = arith.addf %while3A_185, %dot_general3A_259 : vector<256x64xf32>
      %slice3A_261 = vector.extract_strided_slice %get3A_217 {offsets = [0, 128], sizes = [256, 64], strides = [1, 1]} : vector<256x1024xbf16> to vector<256x64xbf16>
      %dot_general3A_262 = arith.constant dense<0.000000e+00> : vector<256x256xf32>
      %dot_general3A_263 = tpu.matmul %get3A_16, %slice3A_261, %dot_general3A_262 {dimension_numbers = #tpu.dot_dimension_numbers<[1], [1], [0], [0], [0, 0, 1, 0], [], []>, transpose_lhs_hint = false} : vector<256x64xbf16>, vector<256x64xbf16>, vector<256x256xf32> -> vector<256x256xf32>
      %mul3A_264 = vector.broadcast %while3A : f32 to vector<256x256xf32>
      %mul3A_265 = arith.mulf %dot_general3A_263, %mul3A_264 : vector<256x256xf32>
      %add3A_266 = arith.addf %mul3A_265, %select_n3A : vector<256x256xf32>
      %exp3A_267 = math.exp %add3A_266 : vector<256x256xf32>
      %reduce_sum3A_268 = arith.constant dense<0.000000e+00> : vector<256xf32>
      %reduce_sum3A_269 = vector.multi_reduction <add>, %exp3A_267, %reduce_sum3A_268 [1] : vector<256x256xf32> to vector<256xf32>
      %broadcast_in_dim3A_270 = vector.shape_cast %reduce_sum3A_269 : vector<256xf32> to vector<256x1xf32>
      %add3A_271 = arith.addf %while3A_186, %broadcast_in_dim3A_270 : vector<256x1xf32>
      %slice3A_272 = vector.extract_strided_slice %get3A_222 {offsets = [0, 128], sizes = [256, 64], strides = [1, 1]} : vector<256x1024xbf16> to vector<256x64xbf16>
      %convert_element_type3A_273 = arith.truncf %exp3A_267 : vector<256x256xf32> to vector<256x256xbf16>
      %dot_general3A_274 = arith.constant dense<0.000000e+00> : vector<256x64xf32>
      %dot_general3A_275 = tpu.matmul %convert_element_type3A_273, %slice3A_272, %dot_general3A_274 {dimension_numbers = #tpu.dot_dimension_numbers<[1], [0], [0], [1], [0, 0, 1, 1], [], []>, transpose_lhs_hint = false} : vector<256x256xbf16>, vector<256x64xbf16>, vector<256x64xf32> -> vector<256x64xf32>
      %add3A_276 = arith.addf %while3A_187, %dot_general3A_275 : vector<256x64xf32>
      %slice3A_277 = vector.extract_strided_slice %get3A_217 {offsets = [0, 192], sizes = [256, 64], strides = [1, 1]} : vector<256x1024xbf16> to vector<256x64xbf16>
      %dot_general3A_278 = arith.constant dense<0.000000e+00> : vector<256x256xf32>
      %dot_general3A_279 = tpu.matmul %get3A_19, %slice3A_277, %dot_general3A_278 {dimension_numbers = #tpu.dot_dimension_numbers<[1], [1], [0], [0], [0, 0, 1, 0], [], []>, transpose_lhs_hint = false} : vector<256x64xbf16>, vector<256x64xbf16>, vector<256x256xf32> -> vector<256x256xf32>
      %mul3A_280 = vector.broadcast %while3A : f32 to vector<256x256xf32>
      %mul3A_281 = arith.mulf %dot_general3A_279, %mul3A_280 : vector<256x256xf32>
      %add3A_282 = arith.addf %mul3A_281, %select_n3A : vector<256x256xf32>
      %exp3A_283 = math.exp %add3A_282 : vector<256x256xf32>
      %reduce_sum3A_284 = arith.constant dense<0.000000e+00> : vector<256xf32>
      %reduce_sum3A_285 = vector.multi_reduction <add>, %exp3A_283, %reduce_sum3A_284 [1] : vector<256x256xf32> to vector<256xf32>
      %broadcast_in_dim3A_286 = vector.shape_cast %reduce_sum3A_285 : vector<256xf32> to vector<256x1xf32>
      %add3A_287 = arith.addf %while3A_188, %broadcast_in_dim3A_286 : vector<256x1xf32>
      %slice3A_288 = vector.extract_strided_slice %get3A_222 {offsets = [0, 192], sizes = [256, 64], strides = [1, 1]} : vector<256x1024xbf16> to vector<256x64xbf16>
      %convert_element_type3A_289 = arith.truncf %exp3A_283 : vector<256x256xf32> to vector<256x256xbf16>
      %dot_general3A_290 = arith.constant dense<0.000000e+00> : vector<256x64xf32>
      %dot_general3A_291 = tpu.matmul %convert_element_type3A_289, %slice3A_288, %dot_general3A_290 {dimension_numbers = #tpu.dot_dimension_numbers<[1], [0], [0], [1], [0, 0, 1, 1], [], []>, transpose_lhs_hint = false} : vector<256x256xbf16>, vector<256x64xbf16>, vector<256x64xf32> -> vector<256x64xf32>
      %add3A_292 = arith.addf %while3A_189, %dot_general3A_291 : vector<256x64xf32>
      %slice3A_293 = vector.extract_strided_slice %get3A_217 {offsets = [0, 256], sizes = [256, 64], strides = [1, 1]} : vector<256x1024xbf16> to vector<256x64xbf16>
      %dot_general3A_294 = arith.constant dense<0.000000e+00> : vector<256x256xf32>
      %dot_general3A_295 = tpu.matmul %get3A_22, %slice3A_293, %dot_general3A_294 {dimension_numbers = #tpu.dot_dimension_numbers<[1], [1], [0], [0], [0, 0, 1, 0], [], []>, transpose_lhs_hint = false} : vector<256x64xbf16>, vector<256x64xbf16>, vector<256x256xf32> -> vector<256x256xf32>
      %mul3A_296 = vector.broadcast %while3A : f32 to vector<256x256xf32>
      %mul3A_297 = arith.mulf %dot_general3A_295, %mul3A_296 : vector<256x256xf32>
      %add3A_298 = arith.addf %mul3A_297, %select_n3A : vector<256x256xf32>
      %exp3A_299 = math.exp %add3A_298 : vector<256x256xf32>
      %reduce_sum3A_300 = arith.constant dense<0.000000e+00> : vector<256xf32>
      %reduce_sum3A_301 = vector.multi_reduction <add>, %exp3A_299, %reduce_sum3A_300 [1] : vector<256x256xf32> to vector<256xf32>
      %broadcast_in_dim3A_302 = vector.shape_cast %reduce_sum3A_301 : vector<256xf32> to vector<256x1xf32>
      %add3A_303 = arith.addf %while3A_190, %broadcast_in_dim3A_302 : vector<256x1xf32>
      %slice3A_304 = vector.extract_strided_slice %get3A_222 {offsets = [0, 256], sizes = [256, 64], strides = [1, 1]} : vector<256x1024xbf16> to vector<256x64xbf16>
      %convert_element_type3A_305 = arith.truncf %exp3A_299 : vector<256x256xf32> to vector<256x256xbf16>
      %dot_general3A_306 = arith.constant dense<0.000000e+00> : vector<256x64xf32>
      %dot_general3A_307 = tpu.matmul %convert_element_type3A_305, %slice3A_304, %dot_general3A_306 {dimension_numbers = #tpu.dot_dimension_numbers<[1], [0], [0], [1], [0, 0, 1, 1], [], []>, transpose_lhs_hint = false} : vector<256x256xbf16>, vector<256x64xbf16>, vector<256x64xf32> -> vector<256x64xf32>
      %add3A_308 = arith.addf %while3A_191, %dot_general3A_307 : vector<256x64xf32>
      %slice3A_309 = vector.extract_strided_slice %get3A_217 {offsets = [0, 320], sizes = [256, 64], strides = [1, 1]} : vector<256x1024xbf16> to vector<256x64xbf16>
      %dot_general3A_310 = arith.constant dense<0.000000e+00> : vector<256x256xf32>
      %dot_general3A_311 = tpu.matmul %get3A_25, %slice3A_309, %dot_general3A_310 {dimension_numbers = #tpu.dot_dimension_numbers<[1], [1], [0], [0], [0, 0, 1, 0], [], []>, transpose_lhs_hint = false} : vector<256x64xbf16>, vector<256x64xbf16>, vector<256x256xf32> -> vector<256x256xf32>
      %mul3A_312 = vector.broadcast %while3A : f32 to vector<256x256xf32>
      %mul3A_313 = arith.mulf %dot_general3A_311, %mul3A_312 : vector<256x256xf32>
      %add3A_314 = arith.addf %mul3A_313, %select_n3A : vector<256x256xf32>
      %exp3A_315 = math.exp %add3A_314 : vector<256x256xf32>
      %reduce_sum3A_316 = arith.constant dense<0.000000e+00> : vector<256xf32>
      %reduce_sum3A_317 = vector.multi_reduction <add>, %exp3A_315, %reduce_sum3A_316 [1] : vector<256x256xf32> to vector<256xf32>
      %broadcast_in_dim3A_318 = vector.shape_cast %reduce_sum3A_317 : vector<256xf32> to vector<256x1xf32>
      %add3A_319 = arith.addf %while3A_192, %broadcast_in_dim3A_318 : vector<256x1xf32>
      %slice3A_320 = vector.extract_strided_slice %get3A_222 {offsets = [0, 320], sizes = [256, 64], strides = [1, 1]} : vector<256x1024xbf16> to vector<256x64xbf16>
      %convert_element_type3A_321 = arith.truncf %exp3A_315 : vector<256x256xf32> to vector<256x256xbf16>
      %dot_general3A_322 = arith.constant dense<0.000000e+00> : vector<256x64xf32>
      %dot_general3A_323 = tpu.matmul %convert_element_type3A_321, %slice3A_320, %dot_general3A_322 {dimension_numbers = #tpu.dot_dimension_numbers<[1], [0], [0], [1], [0, 0, 1, 1], [], []>, transpose_lhs_hint = false} : vector<256x256xbf16>, vector<256x64xbf16>, vector<256x64xf32> -> vector<256x64xf32>
      %add3A_324 = arith.addf %while3A_193, %dot_general3A_323 : vector<256x64xf32>
      %slice3A_325 = vector.extract_strided_slice %get3A_217 {offsets = [0, 384], sizes = [256, 64], strides = [1, 1]} : vector<256x1024xbf16> to vector<256x64xbf16>
      %dot_general3A_326 = arith.constant dense<0.000000e+00> : vector<256x256xf32>
      %dot_general3A_327 = tpu.matmul %get3A_28, %slice3A_325, %dot_general3A_326 {dimension_numbers = #tpu.dot_dimension_numbers<[1], [1], [0], [0], [0, 0, 1, 0], [], []>, transpose_lhs_hint = false} : vector<256x64xbf16>, vector<256x64xbf16>, vector<256x256xf32> -> vector<256x256xf32>
      %mul3A_328 = vector.broadcast %while3A : f32 to vector<256x256xf32>
      %mul3A_329 = arith.mulf %dot_general3A_327, %mul3A_328 : vector<256x256xf32>
      %add3A_330 = arith.addf %mul3A_329, %select_n3A : vector<256x256xf32>
      %exp3A_331 = math.exp %add3A_330 : vector<256x256xf32>
      %reduce_sum3A_332 = arith.constant dense<0.000000e+00> : vector<256xf32>
      %reduce_sum3A_333 = vector.multi_reduction <add>, %exp3A_331, %reduce_sum3A_332 [1] : vector<256x256xf32> to vector<256xf32>
      %broadcast_in_dim3A_334 = vector.shape_cast %reduce_sum3A_333 : vector<256xf32> to vector<256x1xf32>
      %add3A_335 = arith.addf %while3A_194, %broadcast_in_dim3A_334 : vector<256x1xf32>
      %slice3A_336 = vector.extract_strided_slice %get3A_222 {offsets = [0, 384], sizes = [256, 64], strides = [1, 1]} : vector<256x1024xbf16> to vector<256x64xbf16>
      %convert_element_type3A_337 = arith.truncf %exp3A_331 : vector<256x256xf32> to vector<256x256xbf16>
      %dot_general3A_338 = arith.constant dense<0.000000e+00> : vector<256x64xf32>
      %dot_general3A_339 = tpu.matmul %convert_element_type3A_337, %slice3A_336, %dot_general3A_338 {dimension_numbers = #tpu.dot_dimension_numbers<[1], [0], [0], [1], [0, 0, 1, 1], [], []>, transpose_lhs_hint = false} : vector<256x256xbf16>, vector<256x64xbf16>, vector<256x64xf32> -> vector<256x64xf32>
      %add3A_340 = arith.addf %while3A_195, %dot_general3A_339 : vector<256x64xf32>
      %slice3A_341 = vector.extract_strided_slice %get3A_217 {offsets = [0, 448], sizes = [256, 64], strides = [1, 1]} : vector<256x1024xbf16> to vector<256x64xbf16>
      %dot_general3A_342 = arith.constant dense<0.000000e+00> : vector<256x256xf32>
      %dot_general3A_343 = tpu.matmul %get3A_31, %slice3A_341, %dot_general3A_342 {dimension_numbers = #tpu.dot_dimension_numbers<[1], [1], [0], [0], [0, 0, 1, 0], [], []>, transpose_lhs_hint = false} : vector<256x64xbf16>, vector<256x64xbf16>, vector<256x256xf32> -> vector<256x256xf32>
      %mul3A_344 = vector.broadcast %while3A : f32 to vector<256x256xf32>
      %mul3A_345 = arith.mulf %dot_general3A_343, %mul3A_344 : vector<256x256xf32>
      %add3A_346 = arith.addf %mul3A_345, %select_n3A : vector<256x256xf32>
      %exp3A_347 = math.exp %add3A_346 : vector<256x256xf32>
      %reduce_sum3A_348 = arith.constant dense<0.000000e+00> : vector<256xf32>
      %reduce_sum3A_349 = vector.multi_reduction <add>, %exp3A_347, %reduce_sum3A_348 [1] : vector<256x256xf32> to vector<256xf32>
      %broadcast_in_dim3A_350 = vector.shape_cast %reduce_sum3A_349 : vector<256xf32> to vector<256x1xf32>
      %add3A_351 = arith.addf %while3A_196, %broadcast_in_dim3A_350 : vector<256x1xf32>
      %slice3A_352 = vector.extract_strided_slice %get3A_222 {offsets = [0, 448], sizes = [256, 64], strides = [1, 1]} : vector<256x1024xbf16> to vector<256x64xbf16>
      %convert_element_type3A_353 = arith.truncf %exp3A_347 : vector<256x256xf32> to vector<256x256xbf16>
      %dot_general3A_354 = arith.constant dense<0.000000e+00> : vector<256x64xf32>
      %dot_general3A_355 = tpu.matmul %convert_element_type3A_353, %slice3A_352, %dot_general3A_354 {dimension_numbers = #tpu.dot_dimension_numbers<[1], [0], [0], [1], [0, 0, 1, 1], [], []>, transpose_lhs_hint = false} : vector<256x256xbf16>, vector<256x64xbf16>, vector<256x64xf32> -> vector<256x64xf32>
      %add3A_356 = arith.addf %while3A_197, %dot_general3A_355 : vector<256x64xf32>
      %slice3A_357 = vector.extract_strided_slice %get3A_217 {offsets = [0, 512], sizes = [256, 64], strides = [1, 1]} : vector<256x1024xbf16> to vector<256x64xbf16>
      %dot_general3A_358 = arith.constant dense<0.000000e+00> : vector<256x256xf32>
      %dot_general3A_359 = tpu.matmul %get3A_34, %slice3A_357, %dot_general3A_358 {dimension_numbers = #tpu.dot_dimension_numbers<[1], [1], [0], [0], [0, 0, 1, 0], [], []>, transpose_lhs_hint = false} : vector<256x64xbf16>, vector<256x64xbf16>, vector<256x256xf32> -> vector<256x256xf32>
      %mul3A_360 = vector.broadcast %while3A : f32 to vector<256x256xf32>
      %mul3A_361 = arith.mulf %dot_general3A_359, %mul3A_360 : vector<256x256xf32>
      %add3A_362 = arith.addf %mul3A_361, %select_n3A : vector<256x256xf32>
      %exp3A_363 = math.exp %add3A_362 : vector<256x256xf32>
      %reduce_sum3A_364 = arith.constant dense<0.000000e+00> : vector<256xf32>
      %reduce_sum3A_365 = vector.multi_reduction <add>, %exp3A_363, %reduce_sum3A_364 [1] : vector<256x256xf32> to vector<256xf32>
      %broadcast_in_dim3A_366 = vector.shape_cast %reduce_sum3A_365 : vector<256xf32> to vector<256x1xf32>
      %add3A_367 = arith.addf %while3A_198, %broadcast_in_dim3A_366 : vector<256x1xf32>
      %slice3A_368 = vector.extract_strided_slice %get3A_222 {offsets = [0, 512], sizes = [256, 64], strides = [1, 1]} : vector<256x1024xbf16> to vector<256x64xbf16>
      %convert_element_type3A_369 = arith.truncf %exp3A_363 : vector<256x256xf32> to vector<256x256xbf16>
      %dot_general3A_370 = arith.constant dense<0.000000e+00> : vector<256x64xf32>
      %dot_general3A_371 = tpu.matmul %convert_element_type3A_369, %slice3A_368, %dot_general3A_370 {dimension_numbers = #tpu.dot_dimension_numbers<[1], [0], [0], [1], [0, 0, 1, 1], [], []>, transpose_lhs_hint = false} : vector<256x256xbf16>, vector<256x64xbf16>, vector<256x64xf32> -> vector<256x64xf32>
      %add3A_372 = arith.addf %while3A_199, %dot_general3A_371 : vector<256x64xf32>
      %slice3A_373 = vector.extract_strided_slice %get3A_217 {offsets = [0, 576], sizes = [256, 64], strides = [1, 1]} : vector<256x1024xbf16> to vector<256x64xbf16>
      %dot_general3A_374 = arith.constant dense<0.000000e+00> : vector<256x256xf32>
      %dot_general3A_375 = tpu.matmul %get3A_37, %slice3A_373, %dot_general3A_374 {dimension_numbers = #tpu.dot_dimension_numbers<[1], [1], [0], [0], [0, 0, 1, 0], [], []>, transpose_lhs_hint = false} : vector<256x64xbf16>, vector<256x64xbf16>, vector<256x256xf32> -> vector<256x256xf32>
      %mul3A_376 = vector.broadcast %while3A : f32 to vector<256x256xf32>
      %mul3A_377 = arith.mulf %dot_general3A_375, %mul3A_376 : vector<256x256xf32>
      %add3A_378 = arith.addf %mul3A_377, %select_n3A : vector<256x256xf32>
      %exp3A_379 = math.exp %add3A_378 : vector<256x256xf32>
      %reduce_sum3A_380 = arith.constant dense<0.000000e+00> : vector<256xf32>
      %reduce_sum3A_381 = vector.multi_reduction <add>, %exp3A_379, %reduce_sum3A_380 [1] : vector<256x256xf32> to vector<256xf32>
      %broadcast_in_dim3A_382 = vector.shape_cast %reduce_sum3A_381 : vector<256xf32> to vector<256x1xf32>
      %add3A_383 = arith.addf %while3A_200, %broadcast_in_dim3A_382 : vector<256x1xf32>
      %slice3A_384 = vector.extract_strided_slice %get3A_222 {offsets = [0, 576], sizes = [256, 64], strides = [1, 1]} : vector<256x1024xbf16> to vector<256x64xbf16>
      %convert_element_type3A_385 = arith.truncf %exp3A_379 : vector<256x256xf32> to vector<256x256xbf16>
      %dot_general3A_386 = arith.constant dense<0.000000e+00> : vector<256x64xf32>
      %dot_general3A_387 = tpu.matmul %convert_element_type3A_385, %slice3A_384, %dot_general3A_386 {dimension_numbers = #tpu.dot_dimension_numbers<[1], [0], [0], [1], [0, 0, 1, 1], [], []>, transpose_lhs_hint = false} : vector<256x256xbf16>, vector<256x64xbf16>, vector<256x64xf32> -> vector<256x64xf32>
      %add3A_388 = arith.addf %while3A_201, %dot_general3A_387 : vector<256x64xf32>
      %slice3A_389 = vector.extract_strided_slice %get3A_217 {offsets = [0, 640], sizes = [256, 64], strides = [1, 1]} : vector<256x1024xbf16> to vector<256x64xbf16>
      %dot_general3A_390 = arith.constant dense<0.000000e+00> : vector<256x256xf32>
      %dot_general3A_391 = tpu.matmul %get3A_40, %slice3A_389, %dot_general3A_390 {dimension_numbers = #tpu.dot_dimension_numbers<[1], [1], [0], [0], [0, 0, 1, 0], [], []>, transpose_lhs_hint = false} : vector<256x64xbf16>, vector<256x64xbf16>, vector<256x256xf32> -> vector<256x256xf32>
      %mul3A_392 = vector.broadcast %while3A : f32 to vector<256x256xf32>
      %mul3A_393 = arith.mulf %dot_general3A_391, %mul3A_392 : vector<256x256xf32>
      %add3A_394 = arith.addf %mul3A_393, %select_n3A : vector<256x256xf32>
      %exp3A_395 = math.exp %add3A_394 : vector<256x256xf32>
      %reduce_sum3A_396 = arith.constant dense<0.000000e+00> : vector<256xf32>
      %reduce_sum3A_397 = vector.multi_reduction <add>, %exp3A_395, %reduce_sum3A_396 [1] : vector<256x256xf32> to vector<256xf32>
      %broadcast_in_dim3A_398 = vector.shape_cast %reduce_sum3A_397 : vector<256xf32> to vector<256x1xf32>
      %add3A_399 = arith.addf %while3A_202, %broadcast_in_dim3A_398 : vector<256x1xf32>
      %slice3A_400 = vector.extract_strided_slice %get3A_222 {offsets = [0, 640], sizes = [256, 64], strides = [1, 1]} : vector<256x1024xbf16> to vector<256x64xbf16>
      %convert_element_type3A_401 = arith.truncf %exp3A_395 : vector<256x256xf32> to vector<256x256xbf16>
      %dot_general3A_402 = arith.constant dense<0.000000e+00> : vector<256x64xf32>
      %dot_general3A_403 = tpu.matmul %convert_element_type3A_401, %slice3A_400, %dot_general3A_402 {dimension_numbers = #tpu.dot_dimension_numbers<[1], [0], [0], [1], [0, 0, 1, 1], [], []>, transpose_lhs_hint = false} : vector<256x256xbf16>, vector<256x64xbf16>, vector<256x64xf32> -> vector<256x64xf32>
      %add3A_404 = arith.addf %while3A_203, %dot_general3A_403 : vector<256x64xf32>
      %slice3A_405 = vector.extract_strided_slice %get3A_217 {offsets = [0, 704], sizes = [256, 64], strides = [1, 1]} : vector<256x1024xbf16> to vector<256x64xbf16>
      %dot_general3A_406 = arith.constant dense<0.000000e+00> : vector<256x256xf32>
      %dot_general3A_407 = tpu.matmul %get3A_43, %slice3A_405, %dot_general3A_406 {dimension_numbers = #tpu.dot_dimension_numbers<[1], [1], [0], [0], [0, 0, 1, 0], [], []>, transpose_lhs_hint = false} : vector<256x64xbf16>, vector<256x64xbf16>, vector<256x256xf32> -> vector<256x256xf32>
      %mul3A_408 = vector.broadcast %while3A : f32 to vector<256x256xf32>
      %mul3A_409 = arith.mulf %dot_general3A_407, %mul3A_408 : vector<256x256xf32>
      %add3A_410 = arith.addf %mul3A_409, %select_n3A : vector<256x256xf32>
      %exp3A_411 = math.exp %add3A_410 : vector<256x256xf32>
      %reduce_sum3A_412 = arith.constant dense<0.000000e+00> : vector<256xf32>
      %reduce_sum3A_413 = vector.multi_reduction <add>, %exp3A_411, %reduce_sum3A_412 [1] : vector<256x256xf32> to vector<256xf32>
      %broadcast_in_dim3A_414 = vector.shape_cast %reduce_sum3A_413 : vector<256xf32> to vector<256x1xf32>
      %add3A_415 = arith.addf %while3A_204, %broadcast_in_dim3A_414 : vector<256x1xf32>
      %slice3A_416 = vector.extract_strided_slice %get3A_222 {offsets = [0, 704], sizes = [256, 64], strides = [1, 1]} : vector<256x1024xbf16> to vector<256x64xbf16>
      %convert_element_type3A_417 = arith.truncf %exp3A_411 : vector<256x256xf32> to vector<256x256xbf16>
      %dot_general3A_418 = arith.constant dense<0.000000e+00> : vector<256x64xf32>
      %dot_general3A_419 = tpu.matmul %convert_element_type3A_417, %slice3A_416, %dot_general3A_418 {dimension_numbers = #tpu.dot_dimension_numbers<[1], [0], [0], [1], [0, 0, 1, 1], [], []>, transpose_lhs_hint = false} : vector<256x256xbf16>, vector<256x64xbf16>, vector<256x64xf32> -> vector<256x64xf32>
      %add3A_420 = arith.addf %while3A_205, %dot_general3A_419 : vector<256x64xf32>
      %slice3A_421 = vector.extract_strided_slice %get3A_217 {offsets = [0, 768], sizes = [256, 64], strides = [1, 1]} : vector<256x1024xbf16> to vector<256x64xbf16>
      %dot_general3A_422 = arith.constant dense<0.000000e+00> : vector<256x256xf32>
      %dot_general3A_423 = tpu.matmul %get3A_46, %slice3A_421, %dot_general3A_422 {dimension_numbers = #tpu.dot_dimension_numbers<[1], [1], [0], [0], [0, 0, 1, 0], [], []>, transpose_lhs_hint = false} : vector<256x64xbf16>, vector<256x64xbf16>, vector<256x256xf32> -> vector<256x256xf32>
      %mul3A_424 = vector.broadcast %while3A : f32 to vector<256x256xf32>
      %mul3A_425 = arith.mulf %dot_general3A_423, %mul3A_424 : vector<256x256xf32>
      %add3A_426 = arith.addf %mul3A_425, %select_n3A : vector<256x256xf32>
      %exp3A_427 = math.exp %add3A_426 : vector<256x256xf32>
      %reduce_sum3A_428 = arith.constant dense<0.000000e+00> : vector<256xf32>
      %reduce_sum3A_429 = vector.multi_reduction <add>, %exp3A_427, %reduce_sum3A_428 [1] : vector<256x256xf32> to vector<256xf32>
      %broadcast_in_dim3A_430 = vector.shape_cast %reduce_sum3A_429 : vector<256xf32> to vector<256x1xf32>
      %add3A_431 = arith.addf %while3A_206, %broadcast_in_dim3A_430 : vector<256x1xf32>
      %slice3A_432 = vector.extract_strided_slice %get3A_222 {offsets = [0, 768], sizes = [256, 64], strides = [1, 1]} : vector<256x1024xbf16> to vector<256x64xbf16>
      %convert_element_type3A_433 = arith.truncf %exp3A_427 : vector<256x256xf32> to vector<256x256xbf16>
      %dot_general3A_434 = arith.constant dense<0.000000e+00> : vector<256x64xf32>
      %dot_general3A_435 = tpu.matmul %convert_element_type3A_433, %slice3A_432, %dot_general3A_434 {dimension_numbers = #tpu.dot_dimension_numbers<[1], [0], [0], [1], [0, 0, 1, 1], [], []>, transpose_lhs_hint = false} : vector<256x256xbf16>, vector<256x64xbf16>, vector<256x64xf32> -> vector<256x64xf32>
      %add3A_436 = arith.addf %while3A_207, %dot_general3A_435 : vector<256x64xf32>
      %slice3A_437 = vector.extract_strided_slice %get3A_217 {offsets = [0, 832], sizes = [256, 64], strides = [1, 1]} : vector<256x1024xbf16> to vector<256x64xbf16>
      %dot_general3A_438 = arith.constant dense<0.000000e+00> : vector<256x256xf32>
      %dot_general3A_439 = tpu.matmul %get3A_49, %slice3A_437, %dot_general3A_438 {dimension_numbers = #tpu.dot_dimension_numbers<[1], [1], [0], [0], [0, 0, 1, 0], [], []>, transpose_lhs_hint = false} : vector<256x64xbf16>, vector<256x64xbf16>, vector<256x256xf32> -> vector<256x256xf32>
      %mul3A_440 = vector.broadcast %while3A : f32 to vector<256x256xf32>
      %mul3A_441 = arith.mulf %dot_general3A_439, %mul3A_440 : vector<256x256xf32>
      %add3A_442 = arith.addf %mul3A_441, %select_n3A : vector<256x256xf32>
      %exp3A_443 = math.exp %add3A_442 : vector<256x256xf32>
      %reduce_sum3A_444 = arith.constant dense<0.000000e+00> : vector<256xf32>
      %reduce_sum3A_445 = vector.multi_reduction <add>, %exp3A_443, %reduce_sum3A_444 [1] : vector<256x256xf32> to vector<256xf32>
      %broadcast_in_dim3A_446 = vector.shape_cast %reduce_sum3A_445 : vector<256xf32> to vector<256x1xf32>
      %add3A_447 = arith.addf %while3A_208, %broadcast_in_dim3A_446 : vector<256x1xf32>
      %slice3A_448 = vector.extract_strided_slice %get3A_222 {offsets = [0, 832], sizes = [256, 64], strides = [1, 1]} : vector<256x1024xbf16> to vector<256x64xbf16>
      %convert_element_type3A_449 = arith.truncf %exp3A_443 : vector<256x256xf32> to vector<256x256xbf16>
      %dot_general3A_450 = arith.constant dense<0.000000e+00> : vector<256x64xf32>
      %dot_general3A_451 = tpu.matmul %convert_element_type3A_449, %slice3A_448, %dot_general3A_450 {dimension_numbers = #tpu.dot_dimension_numbers<[1], [0], [0], [1], [0, 0, 1, 1], [], []>, transpose_lhs_hint = false} : vector<256x256xbf16>, vector<256x64xbf16>, vector<256x64xf32> -> vector<256x64xf32>
      %add3A_452 = arith.addf %while3A_209, %dot_general3A_451 : vector<256x64xf32>
      %slice3A_453 = vector.extract_strided_slice %get3A_217 {offsets = [0, 896], sizes = [256, 64], strides = [1, 1]} : vector<256x1024xbf16> to vector<256x64xbf16>
      %dot_general3A_454 = arith.constant dense<0.000000e+00> : vector<256x256xf32>
      %dot_general3A_455 = tpu.matmul %get3A_52, %slice3A_453, %dot_general3A_454 {dimension_numbers = #tpu.dot_dimension_numbers<[1], [1], [0], [0], [0, 0, 1, 0], [], []>, transpose_lhs_hint = false} : vector<256x64xbf16>, vector<256x64xbf16>, vector<256x256xf32> -> vector<256x256xf32>
      %mul3A_456 = vector.broadcast %while3A : f32 to vector<256x256xf32>
      %mul3A_457 = arith.mulf %dot_general3A_455, %mul3A_456 : vector<256x256xf32>
      %add3A_458 = arith.addf %mul3A_457, %select_n3A : vector<256x256xf32>
      %exp3A_459 = math.exp %add3A_458 : vector<256x256xf32>
      %reduce_sum3A_460 = arith.constant dense<0.000000e+00> : vector<256xf32>
      %reduce_sum3A_461 = vector.multi_reduction <add>, %exp3A_459, %reduce_sum3A_460 [1] : vector<256x256xf32> to vector<256xf32>
      %broadcast_in_dim3A_462 = vector.shape_cast %reduce_sum3A_461 : vector<256xf32> to vector<256x1xf32>
      %add3A_463 = arith.addf %while3A_210, %broadcast_in_dim3A_462 : vector<256x1xf32>
      %slice3A_464 = vector.extract_strided_slice %get3A_222 {offsets = [0, 896], sizes = [256, 64], strides = [1, 1]} : vector<256x1024xbf16> to vector<256x64xbf16>
      %convert_element_type3A_465 = arith.truncf %exp3A_459 : vector<256x256xf32> to vector<256x256xbf16>
      %dot_general3A_466 = arith.constant dense<0.000000e+00> : vector<256x64xf32>
      %dot_general3A_467 = tpu.matmul %convert_element_type3A_465, %slice3A_464, %dot_general3A_466 {dimension_numbers = #tpu.dot_dimension_numbers<[1], [0], [0], [1], [0, 0, 1, 1], [], []>, transpose_lhs_hint = false} : vector<256x256xbf16>, vector<256x64xbf16>, vector<256x64xf32> -> vector<256x64xf32>
      %add3A_468 = arith.addf %while3A_211, %dot_general3A_467 : vector<256x64xf32>
      %slice3A_469 = vector.extract_strided_slice %get3A_217 {offsets = [0, 960], sizes = [256, 64], strides = [1, 1]} : vector<256x1024xbf16> to vector<256x64xbf16>
      %dot_general3A_470 = arith.constant dense<0.000000e+00> : vector<256x256xf32>
      %dot_general3A_471 = tpu.matmul %get3A_55, %slice3A_469, %dot_general3A_470 {dimension_numbers = #tpu.dot_dimension_numbers<[1], [1], [0], [0], [0, 0, 1, 0], [], []>, transpose_lhs_hint = false} : vector<256x64xbf16>, vector<256x64xbf16>, vector<256x256xf32> -> vector<256x256xf32>
      %mul3A_472 = vector.broadcast %while3A : f32 to vector<256x256xf32>
      %mul3A_473 = arith.mulf %dot_general3A_471, %mul3A_472 : vector<256x256xf32>
      %add3A_474 = arith.addf %mul3A_473, %select_n3A : vector<256x256xf32>
      %exp3A_475 = math.exp %add3A_474 : vector<256x256xf32>
      %reduce_sum3A_476 = arith.constant dense<0.000000e+00> : vector<256xf32>
      %reduce_sum3A_477 = vector.multi_reduction <add>, %exp3A_475, %reduce_sum3A_476 [1] : vector<256x256xf32> to vector<256xf32>
      %broadcast_in_dim3A_478 = vector.shape_cast %reduce_sum3A_477 : vector<256xf32> to vector<256x1xf32>
      %add3A_479 = arith.addf %while3A_212, %broadcast_in_dim3A_478 : vector<256x1xf32>
      %slice3A_480 = vector.extract_strided_slice %get3A_222 {offsets = [0, 960], sizes = [256, 64], strides = [1, 1]} : vector<256x1024xbf16> to vector<256x64xbf16>
      %convert_element_type3A_481 = arith.truncf %exp3A_475 : vector<256x256xf32> to vector<256x256xbf16>
      %dot_general3A_482 = arith.constant dense<0.000000e+00> : vector<256x64xf32>
      %dot_general3A_483 = tpu.matmul %convert_element_type3A_481, %slice3A_480, %dot_general3A_482 {dimension_numbers = #tpu.dot_dimension_numbers<[1], [0], [0], [1], [0, 0, 1, 1], [], []>, transpose_lhs_hint = false} : vector<256x256xbf16>, vector<256x64xbf16>, vector<256x64xf32> -> vector<256x64xf32>
      %add3A_484 = arith.addf %while3A_213, %dot_general3A_483 : vector<256x64xf32>
      scf.yield %add3A_239, %add3A_244, %add3A_255, %add3A_260, %add3A_271, %add3A_276, %add3A_287, %add3A_292, %add3A_303, %add3A_308, %add3A_319, %add3A_324, %add3A_335, %add3A_340, %add3A_351, %add3A_356, %add3A_367, %add3A_372, %add3A_383, %add3A_388, %add3A_399, %add3A_404, %add3A_415, %add3A_420, %add3A_431, %add3A_436, %add3A_447, %add3A_452, %add3A_463, %add3A_468, %add3A_479, %add3A_484 : vector<256x1xf32>, vector<256x64xf32>, vector<256x1xf32>, vector<256x64xf32>, vector<256x1xf32>, vector<256x64xf32>, vector<256x1xf32>, vector<256x64xf32>, vector<256x1xf32>, vector<256x64xf32>, vector<256x1xf32>, vector<256x64xf32>, vector<256x1xf32>, vector<256x64xf32>, vector<256x1xf32>, vector<256x64xf32>, vector<256x1xf32>, vector<256x64xf32>, vector<256x1xf32>, vector<256x64xf32>, vector<256x1xf32>, vector<256x64xf32>, vector<256x1xf32>, vector<256x64xf32>, vector<256x1xf32>, vector<256x64xf32>, vector<256x1xf32>, vector<256x64xf32>, vector<256x1xf32>, vector<256x64xf32>, vector<256x1xf32>, vector<256x64xf32>
    }
    %div3A = vector.broadcast %while3A_128#0 : vector<256x1xf32> to vector<256x64xf32>
    %div3A_129 = arith.divf %while3A_128#1, %div3A : vector<256x64xf32>
    %convert_element_type3A = arith.truncf %div3A_129 : vector<256x64xf32> to vector<256x64xbf16>
    %div3A_130 = vector.broadcast %while3A_128#2 : vector<256x1xf32> to vector<256x64xf32>
    %div3A_131 = arith.divf %while3A_128#3, %div3A_130 : vector<256x64xf32>
    %convert_element_type3A_132 = arith.truncf %div3A_131 : vector<256x64xf32> to vector<256x64xbf16>
    %div3A_133 = vector.broadcast %while3A_128#4 : vector<256x1xf32> to vector<256x64xf32>
    %div3A_134 = arith.divf %while3A_128#5, %div3A_133 : vector<256x64xf32>
    %convert_element_type3A_135 = arith.truncf %div3A_134 : vector<256x64xf32> to vector<256x64xbf16>
    %div3A_136 = vector.broadcast %while3A_128#6 : vector<256x1xf32> to vector<256x64xf32>
    %div3A_137 = arith.divf %while3A_128#7, %div3A_136 : vector<256x64xf32>
    %convert_element_type3A_138 = arith.truncf %div3A_137 : vector<256x64xf32> to vector<256x64xbf16>
    %div3A_139 = vector.broadcast %while3A_128#8 : vector<256x1xf32> to vector<256x64xf32>
    %div3A_140 = arith.divf %while3A_128#9, %div3A_139 : vector<256x64xf32>
    %convert_element_type3A_141 = arith.truncf %div3A_140 : vector<256x64xf32> to vector<256x64xbf16>
    %div3A_142 = vector.broadcast %while3A_128#10 : vector<256x1xf32> to vector<256x64xf32>
    %div3A_143 = arith.divf %while3A_128#11, %div3A_142 : vector<256x64xf32>
    %convert_element_type3A_144 = arith.truncf %div3A_143 : vector<256x64xf32> to vector<256x64xbf16>
    %div3A_145 = vector.broadcast %while3A_128#12 : vector<256x1xf32> to vector<256x64xf32>
    %div3A_146 = arith.divf %while3A_128#13, %div3A_145 : vector<256x64xf32>
    %convert_element_type3A_147 = arith.truncf %div3A_146 : vector<256x64xf32> to vector<256x64xbf16>
    %div3A_148 = vector.broadcast %while3A_128#14 : vector<256x1xf32> to vector<256x64xf32>
    %div3A_149 = arith.divf %while3A_128#15, %div3A_148 : vector<256x64xf32>
    %convert_element_type3A_150 = arith.truncf %div3A_149 : vector<256x64xf32> to vector<256x64xbf16>
    %div3A_151 = vector.broadcast %while3A_128#16 : vector<256x1xf32> to vector<256x64xf32>
    %div3A_152 = arith.divf %while3A_128#17, %div3A_151 : vector<256x64xf32>
    %convert_element_type3A_153 = arith.truncf %div3A_152 : vector<256x64xf32> to vector<256x64xbf16>
    %div3A_154 = vector.broadcast %while3A_128#18 : vector<256x1xf32> to vector<256x64xf32>
    %div3A_155 = arith.divf %while3A_128#19, %div3A_154 : vector<256x64xf32>
    %convert_element_type3A_156 = arith.truncf %div3A_155 : vector<256x64xf32> to vector<256x64xbf16>
    %div3A_157 = vector.broadcast %while3A_128#20 : vector<256x1xf32> to vector<256x64xf32>
    %div3A_158 = arith.divf %while3A_128#21, %div3A_157 : vector<256x64xf32>
    %convert_element_type3A_159 = arith.truncf %div3A_158 : vector<256x64xf32> to vector<256x64xbf16>
    %div3A_160 = vector.broadcast %while3A_128#22 : vector<256x1xf32> to vector<256x64xf32>
    %div3A_161 = arith.divf %while3A_128#23, %div3A_160 : vector<256x64xf32>
    %convert_element_type3A_162 = arith.truncf %div3A_161 : vector<256x64xf32> to vector<256x64xbf16>
    %div3A_163 = vector.broadcast %while3A_128#24 : vector<256x1xf32> to vector<256x64xf32>
    %div3A_164 = arith.divf %while3A_128#25, %div3A_163 : vector<256x64xf32>
    %convert_element_type3A_165 = arith.truncf %div3A_164 : vector<256x64xf32> to vector<256x64xbf16>
    %div3A_166 = vector.broadcast %while3A_128#26 : vector<256x1xf32> to vector<256x64xf32>
    %div3A_167 = arith.divf %while3A_128#27, %div3A_166 : vector<256x64xf32>
    %convert_element_type3A_168 = arith.truncf %div3A_167 : vector<256x64xf32> to vector<256x64xbf16>
    %div3A_169 = vector.broadcast %while3A_128#28 : vector<256x1xf32> to vector<256x64xf32>
    %div3A_170 = arith.divf %while3A_128#29, %div3A_169 : vector<256x64xf32>
    %convert_element_type3A_171 = arith.truncf %div3A_170 : vector<256x64xf32> to vector<256x64xbf16>
    %div3A_172 = vector.broadcast %while3A_128#30 : vector<256x1xf32> to vector<256x64xf32>
    %div3A_173 = arith.divf %while3A_128#31, %div3A_172 : vector<256x64xf32>
    %convert_element_type3A_174 = arith.truncf %div3A_173 : vector<256x64xf32> to vector<256x64xbf16>
    %concatenate3A = tpu.concatenate %convert_element_type3A, %convert_element_type3A_132, %convert_element_type3A_135, %convert_element_type3A_138, %convert_element_type3A_141, %convert_element_type3A_144, %convert_element_type3A_147, %convert_element_type3A_150, %convert_element_type3A_153, %convert_element_type3A_156, %convert_element_type3A_159, %convert_element_type3A_162, %convert_element_type3A_165, %convert_element_type3A_168, %convert_element_type3A_171, %convert_element_type3A_174 in 1 : vector<256x64xbf16>, vector<256x64xbf16>, vector<256x64xbf16>, vector<256x64xbf16>, vector<256x64xbf16>, vector<256x64xbf16>, vector<256x64xbf16>, vector<256x64xbf16>, vector<256x64xbf16>, vector<256x64xbf16>, vector<256x64xbf16>, vector<256x64xbf16>, vector<256x64xbf16>, vector<256x64xbf16>, vector<256x64xbf16>, vector<256x64xbf16> -> vector<256x1024xbf16>
    %get3A_175 = arith.constant 0 : index
    %get3A_176 = arith.constant 0 : index
    %get3A_177 = vector.load %arg8[%get3A_175, %get3A_176] : memref<1024x1024xbf16, #tpu.memory_space<vmem>>, vector<1024x1024xbf16>
    %dot_general3A = arith.constant dense<0.000000e+00> : vector<256x1024xf32>
    %dot_general3A_178 = tpu.matmul %concatenate3A, %get3A_177, %dot_general3A {dimension_numbers = #tpu.dot_dimension_numbers<[1], [0], [0], [1], [0, 0, 1, 1], [], []>, transpose_lhs_hint = false} : vector<256x1024xbf16>, vector<1024x1024xbf16>, vector<256x1024xf32> -> vector<256x1024xf32>
    %swap3A = arith.constant 0 : index
    %swap3A_179 = arith.constant 0 : index
    %swap3A_180 = vector.load %arg9[%swap3A, %swap3A_179] : memref<256x1024xf32, #tpu.memory_space<vmem>>, vector<256x1024xf32>
    tpu.vector_store %arg9[%swap3A, %swap3A_179], %dot_general3A_178 {strides = array<i32>} : memref<256x1024xf32, #tpu.memory_space<vmem>>, vector<256x1024xf32>,
    return
  }
  func.func @transform_0(%arg0: i32, %arg1: memref<8x1xi32, #tpu.memory_space<smem>>, %arg2: memref<8x1xi32, #tpu.memory_space<smem>>) -> (i32, i32) {
    %c0_i32 = arith.constant 0 : i32
    %c0_i32_0 = arith.constant 0 : i32
    return %arg0, %c0_i32 : i32, i32
  }
  func.func @transform_1(%arg0: i32, %arg1: memref<8x1xi32, #tpu.memory_space<smem>>, %arg2: memref<8x1xi32, #tpu.memory_space<smem>>) -> (i32, i32) {
    %c0_i32 = arith.constant 0 : i32
    %c1_i32 = arith.constant 1 : i32
    %c0_i32_0 = arith.constant 0 : i32
    return %c0_i32, %c1_i32 : i32, i32
  }
  func.func @transform_2(%arg0: i32, %arg1: memref<8x1xi32, #tpu.memory_space<smem>>, %arg2: memref<8x1xi32, #tpu.memory_space<smem>>) -> (i32, i32) {
    %c0_i32 = arith.constant 0 : i32
    %c2_i32 = arith.constant 2 : i32
    %c0_i32_0 = arith.constant 0 : i32
    return %c0_i32, %c2_i32 : i32, i32
  }
  func.func @transform_3(%arg0: i32, %arg1: memref<8x1xi32, #tpu.memory_space<smem>>, %arg2: memref<8x1xi32, #tpu.memory_space<smem>>) -> (i32, i32) {
    %c0_i32 = arith.constant 0 : i32
    %c0_i32_0 = arith.constant 0 : i32
    return %arg0, %c0_i32 : i32, i32
  }
  func.func @transform_4(%arg0: i32, %arg1: memref<8x1xi32, #tpu.memory_space<smem>>, %arg2: memref<8x1xi32, #tpu.memory_space<smem>>) -> (i32, i32) {
    %c0_i32 = arith.constant 0 : i32
    %c0_i32_0 = arith.constant 0 : i32
    %c0_i32_1 = arith.constant 0 : i32
    return %c0_i32, %c0_i32_0 : i32, i32
  }
  func.func @transform_5(%arg0: i32, %arg1: memref<8x1xi32, #tpu.memory_space<smem>>, %arg2: memref<8x1xi32, #tpu.memory_space<smem>>) -> (i32, i32) {
    %c0_i32 = arith.constant 0 : i32
    %c0_i32_0 = arith.constant 0 : i32
    %c0_i32_1 = arith.constant 0 : i32
    return %c0_i32, %c0_i32_0 : i32, i32
  }
  func.func @transform_6(%arg0: i32, %arg1: memref<8x1xi32, #tpu.memory_space<smem>>, %arg2: memref<8x1xi32, #tpu.memory_space<smem>>) -> (i32, i32) {
    %c0_i32 = arith.constant 0 : i32
    %c0_i32_0 = arith.constant 0 : i32
    return %arg0, %c0_i32 : i32, i32
  }
}

</mosaic_0001>

<sc_bundles>
// kernel: kernel.10.cloned.1.call-start
scs
__scs_entry_jumppad:
0x0: {  	(pc) =	sbr.rel $0x88, $3  }
0x1: {  	(tag) =	ssettag $0x0;
	lr =	simm.s32 $0x1  }
0x2: {  	[smem:$0x3F9B] =	sst lr;
	_ =	strace $0xD0000000  }
0x3: {  	_ = 	snop  }
0x4: {  	_ = 	snop  }
0x5: {  	_ = 	snop  }
0x6: {  	_ = 	snop  }
0x7: {  	_ = 	snop  }
__scs_overlays_trampoline_lowered:
0x8: {  	[smem:$0x3FAA] =	sst s0  }
0x9: {  	[smem:$0x3FAB] =	sst s1  }
0xa: {  	[smem:$0x3FAC] =	sst s2  }
0xb: {  	[smem:$0x3FAD] =	sst s3  }
0xc: {  	[smem:$0x3FAE] =	sst s4  }
0xd: {  	[smem:$0x3FAF] =	sst s5  }
0xe: {  	[smem:$0x3FB0] =	sst s6  }
0xf: {  	[smem:$0x3FB1] =	sst s7  }
0x10: {  	[smem:$0x3FB2] =	sst s8  }
0x11: {  	[smem:$0x3FB3] =	sst s9;
	s0 =	simm.s32 @!p0 $0x0  }
0x12: {  	s1 =	sld [smem:$0x3F99];
	s0 =	simm.s32 @p0 $0x1  }
0x13: {  	[smem:$0x3FB4] =	sst s0;
	s0 =	simm.s32 @!p1 $0x0  }
0x14: {  	s2 =	sld [smem:$0x3F98];
	s0 =	simm.s32 @p1 $0x1  }
0x15: {  	[smem:$0x3FB5] =	sst s0;
	s0 =	simm.s32 @!p2 $0x0  }
0x16: {  	s3 =	sld [smem:$0x3FDB];
	s0 =	simm.s32 @p2 $0x1  }
0x17: {  	s4 =	simm.s32 $0x1BF5;
	[smem:$0x3FB7] =	sst s0  }
0x18: {  	s0 =	sld [smem:$0x3F9A];
	_ =	swait.ge [sflag:s4], $0x0  }
0x19: {  	s7 =	sld [smem:$0x3F9B]  }
0x1a: {  	s8 =	sadd.s32 $0xFFFFE003, lr  }
0x1b: {  	s9 =	sadd.s32 $0xFFFFFEF7, lr;
	s5 =	simm.s32 $0xFFFFFFFF;
	p2 =	slt.u32 s8, $0xFFFFF086  }
0x1c: {  	p1 =	slt.u32 s9, $0xF7A;
	s5 =	simm.s32 @!p2 $0x0  }
0x1d: {  	s5 =	simm.s32 @p1 $0x1;
	p0 =	seq.s32 s7, s2  }
0x1e: {  	s7 =	smul.u32 @!p0 $0xF7A, s2;
	p2 =	seq.s32 @!p0 s5, $0x0  }
0x1f: {  	s9 =	smul.u32 $0xF7A, s1;
	s8 =	simm.s32 @!p0 $0x1BF5;
	p2 =	por !p2, p0  }
0x20: {  	[sflag:s8] =	ssyncset.s32 @!p0 $0xFFFFF086;
	s6 =	sadd.s32 @!p0 s3, s7;
	s7 =	simm.s32 @!p0 $0x108  }
0x21: {  	s3 =	sadd.s32 s3, s9;
	s6 =	sadd.s32 @!p0 $0x88, s6;
	s7 =	simm.s32 @p2 $0x1082  }
0x22: {  	[simem:s7], [sflag:s8] =	dma.local @!p0 [hbm:s6], $0xF7A  }
0x23: {  	s9 =	sor.u32 $0xD0000000, s2;
	s6 =	simm.s32 $0x108;
	_ =	swait.ge @!p0 [sflag:s8], $0x0  }
0x24: {  	s3 =	sadd.s32 $0x88, s3;
	s6 =	simm.s32 @!p1 $0x1082;
	[sflag:s4] =	ssyncset.s32 $0xFFFFF086  }
0x25: {  	[simem:s6], [sflag:s4] =	dma.local [hbm:s3], $0xF7A  }
0x26: {  	[smem:$0x3F9B] =	sst s1;
	(tag) =	ssettag s2;
	_ =	strace s9  }
0x27: {  	s1 =	sld [smem:$0x3FAB]  }
0x28: {  	s2 =	sld [smem:$0x3FAC]  }
0x29: {  	s4 =	sld [smem:$0x3FAE]  }
0x2a: {  	p0 =	seq.s32 s5, $0x0;
	s5 =	sld [smem:$0x3FAF]  }
0x2b: {  	s6 =	sld [smem:$0x3FB0]  }
0x2c: {  	s7 =	sld [smem:$0x3FB1]  }
0x2d: {  	s3 =	simm.s32 $0x108;
	s8 =	sld [smem:$0x3FB2]  }
0x2e: {  	s3 =	simm.s32 @!p0 $0x1082;
	s9 =	sld [smem:$0x3FB3]  }
0x2f: {  	lr =	sadd.s32 s0, s3;
	s0 =	sld [smem:$0x3FAA]  }
0x30: {  	s3 =	sld [smem:$0x3FAD]  }
0x31: {  	[smem:$0x3FB6] =	sst s10  }
0x32: {  	s10 =	sld [smem:$0x3FB4];
	_ =	sdelay $0x3  }
0x33: {  	p0 =	seq.s32 s10, $0x1;
	s10 =	sld [smem:$0x3FB6];
	_ =	sdelay $0x3  }
0x34: {  	[smem:$0x3FB6] =	sst s10  }
0x35: {  	s10 =	sld [smem:$0x3FB5];
	_ =	sdelay $0x3  }
0x36: {  	p1 =	seq.s32 s10, $0x1;
	s10 =	sld [smem:$0x3FB6];
	_ =	sdelay $0x3  }
0x37: {  	[smem:$0x3FB6] =	sst s10  }
0x38: {  	s10 =	sld [smem:$0x3FB7]  }
0x39: {  	_ = 	snop;
	(pc) =	sbr.ind lr, $3  }
0x3a: {  	_ = 	snop  }
0x3b: {  	_ = 	snop  }
0x3c: {  	p2 =	seq.s32 s10, $0x1;
	s10 =	sld [smem:$0x3FB6]  }
0x3d: {  	_ =	shalt  }
0x3e: {  	_ =	shalt  }
0x3f: {  	_ =	shalt  }
0x40: {  	_ =	shalt  }
0x41: {  	_ =	shalt  }
0x42: {  	_ =	shalt  }
0x43: {  	_ =	shalt  }
0x44: {  	_ =	shalt  }
0x45: {  	_ =	shalt  }
0x46: {  	_ =	shalt  }
0x47: {  	_ =	shalt  }
0x48: {  	_ =	shalt  }
0x49: {  	_ =	shalt  }
0x4a: {  	_ =	shalt  }
0x4b: {  	_ =	shalt  }
0x4c: {  	_ =	shalt  }
0x4d: {  	_ =	shalt  }
0x4e: {  	_ =	shalt  }
0x4f: {  	_ =	shalt  }
0x50: {  	_ =	shalt  }
0x51: {  	_ =	shalt  }
0x52: {  	_ =	shalt  }
0x53: {  	_ =	shalt  }
0x54: {  	_ =	shalt  }
0x55: {  	_ =	shalt  }
0x56: {  	_ =	shalt  }
0x57: {  	_ =	shalt  }
0x58: {  	_ =	shalt  }
0x59: {  	_ =	shalt  }
0x5a: {  	_ =	shalt  }
0x5b: {  	_ =	shalt  }
0x5c: {  	_ =	shalt  }
0x5d: {  	_ =	shalt  }
0x5e: {  	_ =	shalt  }
0x5f: {  	_ =	shalt  }
0x60: {  	_ =	shalt  }
0x61: {  	_ =	shalt  }
0x62: {  	_ =	shalt  }
0x63: {  	_ =	shalt  }
0x64: {  	_ =	shalt  }
0x65: {  	_ =	shalt  }
0x66: {  	_ =	shalt  }
0x67: {  	_ =	shalt  }
0x68: {  	_ =	shalt  }
0x69: {  	_ =	shalt  }
0x6a: {  	_ =	shalt  }
0x6b: {  	_ =	shalt  }
0x6c: {  	_ =	shalt  }
0x6d: {  	_ =	shalt  }
0x6e: {  	_ =	shalt  }
0x6f: {  	_ =	shalt  }
0x70: {  	_ =	shalt  }
0x71: {  	_ =	shalt  }
0x72: {  	_ =	shalt  }
0x73: {  	_ =	shalt  }
0x74: {  	_ =	shalt  }
0x75: {  	_ =	shalt  }
0x76: {  	_ =	shalt  }
0x77: {  	_ =	shalt  }
0x78: {  	_ =	shalt  }
0x79: {  	_ =	shalt  }
0x7a: {  	_ =	shalt  }
0x7b: {  	_ =	shalt  }
0x7c: {  	_ =	shalt  }
0x7d: {  	_ =	shalt  }
0x7e: {  	_ =	shalt  }
0x7f: {  	_ =	shalt  }
0x80: {  	_ =	shalt  }
0x81: {  	_ =	shalt  }
0x82: {  	_ =	shalt  }
0x83: {  	_ =	shalt  }
0x84: {  	_ =	shalt  }
0x85: {  	_ =	shalt  }
0x86: {  	_ =	shalt  }
0x87: {  	_ =	shalt  }
.Lfunc_end0:
.L_simem_size_0:
called_computation.1_lowered:
.L_overlay_start_0:
0x88: {  	s2 =	sld [smem:$0x3FD9]  }
0x89: {  	s3 =	sld [smem:$0x3FFE];
	_ =	sdelay $0x1  }
0x8a: {  	s1 =	srdreg.scid  }
0x8b: {  	s0 =	sand.u32 $0x1, s1  }
0x8c: {  	s17 =	sshll.u32 s0, $0xA;
	s2 =	sadd.s32 s3, s2  }
0x8d: {  	s2 =	sadd.s32 s2, s17  }
0x8e: {  	[smem:$0x3FC2] =	sst s2  }
0x8f: {  	_ = 	snop  }
0x90: {  	s2 =	sld [smem:$0x3FD0];
	(tm) =	ssettm $0x1  }
0x91: {  	s18 =	sld [smem:$0x3FFB];
	_ =	sdelay $0x3  }
0x92: {  	_ =	strace s18  }
0x93: {  	s3 =	sld [smem:$0x3FFC];
	_ =	sdelay $0x3  }
0x94: {  	_ =	strace s3  }
0x95: {  	s3 =	sld [smem:$0x3FFD];
	_ =	sdelay $0x3  }
0x96: {  	_ =	strace s3  }
0x97: {  	_ =	strace $0x8FFFFFFF  }
0x98: {  	s19 =	sld [smem:$0x3FDB];
	_ =	sdelay $0x1  }
0x99: {  	s4 =	simm.s32 $_scs_section_size  }
0x9a: {  	s5 =	simm.s32 $_size__tile_overlayer_lowered;
	s6 =	simm.s32 $_tile_overlayer_lowered  }
0x9b: {  	s22 =	simm.s32 $0x1BFF;
	s21 =	sshll.u32 s6, $0x1;
	s3 =	sadd.s32 s4, s19  }
0x9c: {  	s7 =	simm.s32 $0x0;
	s20 =	sshll.u32 s5, $0x1;
	s5 =	sadd.s32 s21, s3  }
0x9d: {  	[timem:s7], [sflag:s22] =	dma.local [hbm:s5], s20  }
0x9e: {  	_ =	swait.ge [sflag:s22], s20  }
0x9f: {  	s4 =	ssub.s32 $0x0, s20;
	[sflag:s22] =	ssyncset.done $0x0  }
0xa0: {  	[sflag:s22] =	ssyncadd.s32 s4;
	_ =	sdelay $0x1  }
0xa1: {  	s23 =	simm.s32 $0x1B8B  }
0xa2: {  	_ =	swait.ge [sflag:s23], $0x1  }
0xa3: {  	[sflag:s23] =	ssyncset.done $0x0  }
0xa4: {  	s25 =	simm.s32 $0x1B8E;
	s24 =	sld [smem:$0x3FFE];
	[sflag:s23] =	ssyncadd.s32 $0xFFFFFFFF  }
0xa5: {  	s26 =	simm.s32 $execute0_lowered;
	[smem:$0x3FD2] =	sst s25  }
0xa6: {  	s5 =	sshll.u32 s26, $0x1;
	_ =	strace $0x80000049;
	[dreg:$0x1] =	wrdreg $0xFFFFFFFF  }
0xa7: {  	s28 =	simm.s32 $_size_execute0_lowered;
	s3 =	sadd.s32 s3, s5;
	[dreg:$0x0] =	wrdreg $0x0  }
0xa8: {  	s5 =	sshll.u32 s28, $0x1;
	[dreg:$0x2] =	wrdreg s3  }
0xa9: {  	[dreg:$0x3] =	wrdreg s5  }
0xaa: {  	[dreg:$0x4] =	wrdreg $0xC0  }
0xab: {  	_ =	task [dreg:s7], $0x5FFFF  }
0xac: {  	[dreg:$0x1] =	wrdreg $0xFFFFFFFF  }
0xad: {  	[dreg:$0x0] =	wrdreg $0x60  }
0xae: {  	[dreg:$0x2] =	wrdreg s24  }
0xaf: {  	[dreg:$0x3] =	wrdreg s2  }
0xb0: {  	[dreg:$0x4] =	wrdreg $0x9  }
0xb1: {  	_ =	task.clear_ibuf [dreg:s7], $0x5FFFF;
	_ =	strace $0x90000049  }
0xb2: {  	s29 =	simm.s32 $0x9;
	_ =	strace $0x8000004B  }
0xb3: {  	_ =	swait.ge [sflag:s29], $0x1  }
0xb4: {  	[sflag:s29] =	ssyncadd.s32 $0xFFFFFFFF  }
0xb5: {  	_ =	strace $0x9000004B  }
0xb6: {  	_ =	sfence  }
0xb7: {  	s30 =	sld [smem:$0x0];
	_ =	sdelay $0x2  }
0xb8: {  	s31 =	sshll.u32 s1, $0xD;
	s1 =	sshrl.u32 s1, $0x2  }
0xb9: {  	s3 =	sand.u32 $0x4000, s31;
	s1 =	sadd.s32 s1, s30  }
0xba: {  	s0 =	sor.u32 s3, s0;
	s1 =	sshll.u32 s1, $0x11  }
0xbb: {  	s0 =	sor.u32 s1, s0  }
0xbc: {  	s0 =	sadd.s32 $0x8F2B, s0  }
0xbd: {  	[sflag:s0] =	ssyncadd.remote.s32 $0x1  }
0xbe: {  	_ =	sfence.sel $0xFFFF  }
0xbf: {  	[dreg:$0x0] =	wrdreg $0xFFFFFFFF;
	(pc) =	sbr.abs _section_cstart, $3  }
0xc0: {  	[dreg:$0x1] =	wrdreg $0xFFFFFFFF  }
0xc1: {  	_ =	task.clear_ibuf [dreg:s7], $0x2FFFF;
	_ =	strace $0x9FFFFFFF  }
0xc2: {  	(tm) =	ssettm $0x7FFFFFFF  }
0xc3: {  	_ =	shalt  }
tec
execute0_lowered:
.L_overlay_start_1:
0x0: {  	(tag) =	ssettag $0x1  }
0x1: {  	s1 =	srdreg.scid  }
0x2: {  	s0 =	stileid.u32;
	s6 =	rddreg [dreg:$0x0]  }
0x3: {  	s4 =	rddreg [dreg:$0x1];
	s18 =	simm.s32 $0x880;
	s19 =	simm.s32 $0x1080  }
0x4: {  	s20 =	simm.s32 $0x1880;
	s22 =	simm.s32 $0x2080;
	s23 =	simm.s32 $0x2880  }
0x5: {  	s7 =	simm.s32 $0x3080;
	s24 =	simm.s32 $0x3880;
	s8 =	simm.s32 $0x4080  }
0x6: {  	s25 =	simm.s32 $0x4880;
	s26 =	simm.s32 $0x5080;
	s1 =	sand.u32 $0x1, s1  }
0x7: {  	s9 =	simm.s32 $0x80;
	s2 =	sshll.u32 s0, $0x7;
	s3 =	sshll.u32 s1, $0x6  }
0x8: {  	s11 =	simm.s32 $0x6080;
	s3 =	sor.u32 s3, s2;
	s2 =	simm.s32 $0x0  }
0x9: {  	s12 =	simm.s32 $0x6880;
	s13 =	simm.s32 $0x7080;
	[smem:$0x7FF] =	sst s2  }
0xa: {  	s14 =	simm.s32 $0x7880;
	_ =	strace $0x8000004A;
	[dreg:$0x5] =	wrdreg s18  }
0xb: {  	s15 =	simm.s32 $0x8080;
	s16 =	simm.s32 $0x8880;
	[dreg:$0x6] =	wrdreg s19  }
0xc: {  	s17 =	simm.s32 $0x9080;
	s28 =	simm.s32 $0xE080;
	[dreg:$0x7] =	wrdreg s20  }
0xd: {  	s29 =	simm.s32 $0xE880;
	s30 =	simm.s32 $0xF080;
	[dreg:$0x8] =	wrdreg s22  }
0xe: {  	s31 =	simm.s32 $0xF880;
	s1 =	ssub.s32 $0x2, s1;
	[dreg:$0x9] =	wrdreg s23  }
0xf: {  	s21 =	sshrl.u32 s1, $0x1;
	s5 =	sshrl.u32 s3, $0x3;
	[dreg:$0xa] =	wrdreg s7  }
0x10: {  	s3 =	sshll.u32 s3, $0x7;
	s1 =	ssub.s32 s1, s21;
	[dreg:$0xb] =	wrdreg s24  }
0x11: {  	s21 =	simm.s32 $0xB080;
	s5 =	sadd.s32 s5, s6;
	[dreg:$0xc] =	wrdreg s8  }
0x12: {  	s3 =	sadd.s32 s4, s3;
	s4 =	sadd.s32 $0x1D00, s6;
	[dreg:$0xd] =	wrdreg s25  }
0x13: {  	s7 =	smax.u32 s1, $0x1;
	s8 =	simm.s32 $0x2;
	[dreg:$0xe] =	wrdreg s26  }
0x14: {  	s18 =	simm.s32 $0x9880;
	s19 =	simm.s32 $0xA080;
	s20 =	simm.s32 $0xA880  }
0x15: {  	s22 =	simm.s32 $0xB880;
	s23 =	simm.s32 $0xC080;
	s24 =	simm.s32 $0xC880  }
0x16: {  	v2 =	vlaneseq.u32;
	s25 =	simm.s32 $0xD080;
	s26 =	simm.s32 $0xD880;
	s1 =	simm.s32 $0x1  }
0x17: {  	vm0 =	vmmov $0xffff;
	v1 =	vshrl.u32 v2, $0x3;
	s5 =	sadd.s32 $0x1A00, s5;
	[dreg:$0x4] =	wrdreg s3;
	s3 =	sadd.s32 $0x1C00, s6  }
0x18: {  	v0 =	vand.u32 $0x7, v2;
	v2 =	vor.u32 $0x8, v2;
	v1 =	vmul.u32 $0x8, v1;
	[dreg:$0x3] =	wrdreg s5;
	s5 =	sadd.s32 $0x1E00, s6;
	s6 =	sadd.s32 $0x1F00, s6  }
.LBB2_1:
0x19: {  	s0 =	rddreg [dreg:$0x3]  }
0x1a: {  	[tilespmem:s2], [sflag:$0x2] =	stream.linear.gather [hbm4b:s0+s2], $0x40, $0x38;
	[tilespmem:$0x10080] =	vst v63  }
0x1b: {  	_ =	swait.ge [sflag:s8], $0x40  }
0x1c: {  	[sflag:s8] =	ssyncset.done $0x0  }
0x1d: {  	[sflag:s8] =	ssyncadd.s32 $0xFFFFFFC0  }
0x1e: {  	v3 =	vld [tilespmem:$0x0];
	_ =	sdelay $0x4  }
0x1f: {  	v4 =	vshll.u32 v3, $0x3  }
0x20: {  	v3 =	vand.u32 $0x7, v3;
	v4 =	vand.u32 $0xFFFFFFC0, v4  }
0x21: {  	v3 =	vor.u32 v3, v4  }
0x22: {  	v4 =	vperm.xlane v3, v0;
	_ =	sdelay $0x1  }
0x23: {  	v4 =	vadd.s32 v1, v4;
	_ =	sdelay $0x4  }
0x24: {  	[tilespmem:s9], [sflag:$0x1] =	stream.indirect_vreg.gather [hbm4b:s3+s2], $0x80, v4, vm0, $0xb8;
	[tilespmem:$0x10080] =	vst v63  }
0x25: {  	s0 =	rddreg [dreg:$0x5];
	v3 =	vperm.xlane v3, v2  }
0x26: {  	[tilespmem:s0], [sflag:$0x1] =	stream.indirect_vreg.gather [hbm4b:s4+s2], $0x80, v4, vm0, $0xb8;
	[tilespmem:$0x10080] =	vst v63  }
0x27: {  	s10 =	rddreg [dreg:$0x6];
	v3 =	vadd.s32 v1, v3  }
0x28: {  	[tilespmem:s10], [sflag:$0x1] =	stream.indirect_vreg.gather [hbm4b:s5+s2], $0x80, v4, vm0, $0xb8;
	[tilespmem:$0x10080] =	vst v63  }
0x29: {  	s0 =	rddreg [dreg:$0x7]  }
0x2a: {  	[tilespmem:s0], [sflag:$0x1] =	stream.indirect_vreg.gather [hbm4b:s6+s2], $0x80, v4, vm0, $0xb8;
	[tilespmem:$0x10080] =	vst v63  }
0x2b: {  	s10 =	rddreg [dreg:$0x8]  }
0x2c: {  	[tilespmem:s10], [sflag:$0x1] =	stream.indirect_vreg.gather [hbm4b:s3+s2], $0x80, v3, vm0, $0xb8;
	[tilespmem:$0x10080] =	vst v63  }
0x2d: {  	s0 =	rddreg [dreg:$0x9]  }
0x2e: {  	[tilespmem:s0], [sflag:$0x1] =	stream.indirect_vreg.gather [hbm4b:s4+s2], $0x80, v3, vm0, $0xb8;
	[tilespmem:$0x10080] =	vst v63  }
0x2f: {  	s10 =	rddreg [dreg:$0xa]  }
0x30: {  	[tilespmem:s10], [sflag:$0x1] =	stream.indirect_vreg.gather [hbm4b:s5+s2], $0x80, v3, vm0, $0xb8;
	[tilespmem:$0x10080] =	vst v63  }
0x31: {  	s0 =	rddreg [dreg:$0xb]  }
0x32: {  	[tilespmem:s0], [sflag:$0x1] =	stream.indirect_vreg.gather [hbm4b:s6+s2], $0x80, v3, vm0, $0xb8;
	[tilespmem:$0x10080] =	vst v63  }
0x33: {  	v3 =	vld [tilespmem:$0x10];
	_ =	sdelay $0x4  }
0x34: {  	v61 =	vshll.u32 v3, $0x3  }
0x35: {  	v3 =	vand.u32 $0x7, v3;
	v4 =	vand.u32 $0xFFFFFFC0, v61  }
0x36: {  	v3 =	vor.u32 v3, v4  }
0x37: {  	v4 =	vperm.xlane v3, v0;
	_ =	sdelay $0x1  }
0x38: {  	v4 =	vadd.s32 v1, v4;
	_ =	sdelay $0x3  }
0x39: {  	s0 =	rddreg [dreg:$0xc]  }
0x3a: {  	[tilespmem:s0], [sflag:$0x1] =	stream.indirect_vreg.gather [hbm4b:s3+s2], $0x80, v4, vm0, $0xb8;
	[tilespmem:$0x10080] =	vst v63  }
0x3b: {  	s10 =	rddreg [dreg:$0xd];
	v3 =	vperm.xlane v3, v2  }
0x3c: {  	[tilespmem:s10], [sflag:$0x1] =	stream.indirect_vreg.gather [hbm4b:s4+s2], $0x80, v4, vm0, $0xb8;
	[tilespmem:$0x10080] =	vst v63  }
0x3d: {  	v3 =	vadd.s32 v1, v3;
	s0 =	rddreg [dreg:$0xe]  }
0x3e: {  	[tilespmem:s0], [sflag:$0x1] =	stream.indirect_vreg.gather [hbm4b:s5+s2], $0x80, v4, vm0, $0xb8;
	[tilespmem:$0x10080] =	vst v63  }
0x3f: {  	s10 =	simm.s32 $0x5880  }
0x40: {  	[tilespmem:s10], [sflag:$0x1] =	stream.indirect_vreg.gather [hbm4b:s6+s2], $0x80, v4, vm0, $0xb8;
	[tilespmem:$0x10080] =	vst v63  }
0x41: {  	_ = 	snop  }
0x42: {  	[tilespmem:s11], [sflag:$0x1] =	stream.indirect_vreg.gather [hbm4b:s3+s2], $0x80, v3, vm0, $0xb8;
	[tilespmem:$0x10080] =	vst v63  }
0x43: {  	_ = 	snop  }
0x44: {  	[tilespmem:s12], [sflag:$0x1] =	stream.indirect_vreg.gather [hbm4b:s4+s2], $0x80, v3, vm0, $0xb8;
	[tilespmem:$0x10080] =	vst v63  }
0x45: {  	_ = 	snop  }
0x46: {  	[tilespmem:s13], [sflag:$0x1] =	stream.indirect_vreg.gather [hbm4b:s5+s2], $0x80, v3, vm0, $0xb8;
	[tilespmem:$0x10080] =	vst v63  }
0x47: {  	_ = 	snop  }
0x48: {  	[tilespmem:s14], [sflag:$0x1] =	stream.indirect_vreg.gather [hbm4b:s6+s2], $0x80, v3, vm0, $0xb8;
	[tilespmem:$0x10080] =	vst v63  }
0x49: {  	v3 =	vld [tilespmem:$0x20];
	_ =	sdelay $0x4  }
0x4a: {  	v62 =	vshll.u32 v3, $0x3  }
0x4b: {  	v3 =	vand.u32 $0x7, v3;
	v4 =	vand.u32 $0xFFFFFFC0, v62  }
0x4c: {  	v3 =	vor.u32 v3, v4  }
0x4d: {  	v4 =	vperm.xlane v3, v0;
	_ =	sdelay $0x1  }
0x4e: {  	v4 =	vadd.s32 v1, v4;
	_ =	sdelay $0x4  }
0x4f: {  	[tilespmem:s15], [sflag:$0x1] =	stream.indirect_vreg.gather [hbm4b:s3+s2], $0x80, v4, vm0, $0xb8;
	[tilespmem:$0x10080] =	vst v63  }
0x50: {  	v3 =	vperm.xlane v3, v2  }
0x51: {  	[tilespmem:s16], [sflag:$0x1] =	stream.indirect_vreg.gather [hbm4b:s4+s2], $0x80, v4, vm0, $0xb8;
	[tilespmem:$0x10080] =	vst v63  }
0x52: {  	v3 =	vadd.s32 v1, v3  }
0x53: {  	[tilespmem:s17], [sflag:$0x1] =	stream.indirect_vreg.gather [hbm4b:s5+s2], $0x80, v4, vm0, $0xb8;
	[tilespmem:$0x10080] =	vst v63  }
0x54: {  	_ = 	snop  }
0x55: {  	[tilespmem:s18], [sflag:$0x1] =	stream.indirect_vreg.gather [hbm4b:s6+s2], $0x80, v4, vm0, $0xb8;
	[tilespmem:$0x10080] =	vst v63  }
0x56: {  	_ = 	snop  }
0x57: {  	[tilespmem:s19], [sflag:$0x1] =	stream.indirect_vreg.gather [hbm4b:s3+s2], $0x80, v3, vm0, $0xb8;
	[tilespmem:$0x10080] =	vst v63  }
0x58: {  	_ = 	snop  }
0x59: {  	[tilespmem:s20], [sflag:$0x1] =	stream.indirect_vreg.gather [hbm4b:s4+s2], $0x80, v3, vm0, $0xb8;
	[tilespmem:$0x10080] =	vst v63  }
0x5a: {  	_ = 	snop  }
0x5b: {  	[tilespmem:s21], [sflag:$0x1] =	stream.indirect_vreg.gather [hbm4b:s5+s2], $0x80, v3, vm0, $0xb8;
	[tilespmem:$0x10080] =	vst v63  }
0x5c: {  	_ = 	snop  }
0x5d: {  	[tilespmem:s22], [sflag:$0x1] =	stream.indirect_vreg.gather [hbm4b:s6+s2], $0x80, v3, vm0, $0xb8;
	[tilespmem:$0x10080] =	vst v63  }
0x5e: {  	v3 =	vld [tilespmem:$0x30];
	_ =	sdelay $0x4  }
0x5f: {  	v63 =	vshll.u32 v3, $0x3  }
0x60: {  	v3 =	vand.u32 $0x7, v3;
	v4 =	vand.u32 $0xFFFFFFC0, v63  }
0x61: {  	v3 =	vor.u32 v3, v4  }
0x62: {  	v4 =	vperm.xlane v3, v0;
	_ =	sdelay $0x1  }
0x63: {  	v4 =	vadd.s32 v1, v4;
	_ =	sdelay $0x4  }
0x64: {  	[tilespmem:s23], [sflag:$0x1] =	stream.indirect_vreg.gather [hbm4b:s3+s2], $0x80, v4, vm0, $0xb8;
	[tilespmem:$0x10080] =	vst v63  }
0x65: {  	v3 =	vperm.xlane v3, v2  }
0x66: {  	[tilespmem:s24], [sflag:$0x1] =	stream.indirect_vreg.gather [hbm4b:s4+s2], $0x80, v4, vm0, $0xb8;
	[tilespmem:$0x10080] =	vst v63  }
0x67: {  	v3 =	vadd.s32 v1, v3  }
0x68: {  	[tilespmem:s25], [sflag:$0x1] =	stream.indirect_vreg.gather [hbm4b:s5+s2], $0x80, v4, vm0, $0xb8;
	[tilespmem:$0x10080] =	vst v63  }
0x69: {  	_ = 	snop  }
0x6a: {  	[tilespmem:s26], [sflag:$0x1] =	stream.indirect_vreg.gather [hbm4b:s6+s2], $0x80, v4, vm0, $0xb8;
	[tilespmem:$0x10080] =	vst v63  }
0x6b: {  	_ = 	snop  }
0x6c: {  	[tilespmem:s28], [sflag:$0x1] =	stream.indirect_vreg.gather [hbm4b:s3+s2], $0x80, v3, vm0, $0xb8;
	[tilespmem:$0x10080] =	vst v63  }
0x6d: {  	_ = 	snop  }
0x6e: {  	[tilespmem:s29], [sflag:$0x1] =	stream.indirect_vreg.gather [hbm4b:s4+s2], $0x80, v3, vm0, $0xb8;
	[tilespmem:$0x10080] =	vst v63  }
0x6f: {  	_ = 	snop  }
0x70: {  	[tilespmem:s30], [sflag:$0x1] =	stream.indirect_vreg.gather [hbm4b:s5+s2], $0x80, v3, vm0, $0xb8;
	[tilespmem:$0x10080] =	vst v63  }
0x71: {  	_ = 	snop  }
0x72: {  	[tilespmem:s31], [sflag:$0x1] =	stream.indirect_vreg.gather [hbm4b:s6+s2], $0x80, v3, vm0, $0xb8;
	[tilespmem:$0x10080] =	vst v63  }
0x73: {  	_ =	swait.ge [sflag:s1], $0x10000  }
0x74: {  	p0 =	sne.s32 s7, $0x1;
	[sflag:s1] =	ssyncset.done $0x0  }
.Ltmp0:
0x75: {  	s10 =	rddreg [dreg:$0x4];
	[sflag:s1] =	ssyncadd.s32 $0xFFFF0000;
	(pc) =	sbr.rel @p0 .LBB2_1-.Ltmp0, $4  }
0x76: {  	[hbm4b:s10+s2] =	stream.linear.scatter [tilespmem:s9], [sflag:$0x2], $0x10000, $0x38;
	[tilespmem:$0x10080] =	vst v63  }
0x77: {  	_ =	swait.ge [sflag:s8], $0x10000  }
0x78: {  	[sflag:s8] =	ssyncset.done $0x0  }
0x79: {  	s7 =	sadd.s32 $0xFFFFFFFF, s7;
	[sflag:s8] =	ssyncadd.s32 $0xFFFF0000  }
0x7a: {  	_ =	sfence.sel $0x180000  }
0x7b: {  	[bflag:$0x0] =	sbarrier.arrive $0xFFFF  }
0x7c: {  	_ =	strace $0x9000004A  }
0x7d: {  	s0 =	stileid.u32;
	[bflag:$0x2] =	sbarrier.arrive $0xFFFF  }
0x7e: {  	p0 =	sne.s32 s0, $0x0;
	s0 =	rddreg [dreg:$0x2]  }
0x7f: {  	s0 =	sadd.s32 @!p0 $0x100000, s0  }
0x80: {  	[sflag:s0] =	ssyncadd.tile.s32 @!p0 $0x1;
	_ =	shalt  }
.Lfunc_end2:
_tile_overlayer_lowered:
.L_overlay_start_2:
0x81: {  	(tag) =	ssettag $0x2  }
0x82: {  	s0 =	rddreg [dreg:$0x0];
	s2 =	stileid.u32  }
0x83: {  	s1 =	rddreg [dreg:$0x1];
	p0 =	sne.s32 s2, $0x0  }
0x84: {  	s3 =	rddreg [dreg:$0x2];
	[bflag:$0x3] =	sbarrier.arrive $0xFFFF;
	s2 =	simm.s32 @!p0 $0x1C02  }
0x85: {  	[timem:s3], [sflag:s2] =	dma.local @!p0 [hbm:s0], s1  }
0x86: {  	s0 =	simm.s32 @!p0 $0x2  }
0x87: {  	_ =	swait.ge @!p0 [sflag:s0], s1  }
0x88: {  	s1 =	ssub.s32 @!p0 $0x0, s1;
	[sflag:s0] =	ssyncset.done @!p0 $0x0  }
0x89: {  	[sflag:s0] =	ssyncadd.s32 @!p0 s1  }
0x8a: {  	[bflag:$0x3] =	sbarrier.arrive $0xFFFF  }
0x8b: {  	_ =	shalt  }

// kernel: kernel.7.cloned.1.call-start
scs
__scs_entry_jumppad:
0x0: {  	(pc) =	sbr.rel $0x88, $3  }
0x1: {  	(tag) =	ssettag $0x0;
	lr =	simm.s32 $0x1  }
0x2: {  	[smem:$0x3F9B] =	sst lr;
	_ =	strace $0xD0000000  }
0x3: {  	_ = 	snop  }
0x4: {  	_ = 	snop  }
0x5: {  	_ = 	snop  }
0x6: {  	_ = 	snop  }
0x7: {  	_ = 	snop  }
__scs_overlays_trampoline_lowered:
0x8: {  	[smem:$0x3FAA] =	sst s0  }
0x9: {  	[smem:$0x3FAB] =	sst s1  }
0xa: {  	[smem:$0x3FAC] =	sst s2  }
0xb: {  	[smem:$0x3FAD] =	sst s3  }
0xc: {  	[smem:$0x3FAE] =	sst s4  }
0xd: {  	[smem:$0x3FAF] =	sst s5  }
0xe: {  	[smem:$0x3FB0] =	sst s6  }
0xf: {  	[smem:$0x3FB1] =	sst s7  }
0x10: {  	[smem:$0x3FB2] =	sst s8  }
0x11: {  	[smem:$0x3FB3] =	sst s9;
	s0 =	simm.s32 @!p0 $0x0  }
0x12: {  	s1 =	sld [smem:$0x3F99];
	s0 =	simm.s32 @p0 $0x1  }
0x13: {  	[smem:$0x3FB4] =	sst s0;
	s0 =	simm.s32 @!p1 $0x0  }
0x14: {  	s2 =	sld [smem:$0x3F98];
	s0 =	simm.s32 @p1 $0x1  }
0x15: {  	[smem:$0x3FB5] =	sst s0;
	s0 =	simm.s32 @!p2 $0x0  }
0x16: {  	s3 =	sld [smem:$0x3FDB];
	s0 =	simm.s32 @p2 $0x1  }
0x17: {  	s4 =	simm.s32 $0x1BF5;
	[smem:$0x3FB7] =	sst s0  }
0x18: {  	s0 =	sld [smem:$0x3F9A];
	_ =	swait.ge [sflag:s4], $0x0  }
0x19: {  	s7 =	sld [smem:$0x3F9B]  }
0x1a: {  	s8 =	sadd.s32 $0xFFFFE003, lr  }
0x1b: {  	s9 =	sadd.s32 $0xFFFFFEF7, lr;
	s5 =	simm.s32 $0xFFFFFFFF;
	p2 =	slt.u32 s8, $0xFFFFF086  }
0x1c: {  	p1 =	slt.u32 s9, $0xF7A;
	s5 =	simm.s32 @!p2 $0x0  }
0x1d: {  	s5 =	simm.s32 @p1 $0x1;
	p0 =	seq.s32 s7, s2  }
0x1e: {  	s7 =	smul.u32 @!p0 $0xF7A, s2;
	p2 =	seq.s32 @!p0 s5, $0x0  }
0x1f: {  	s9 =	smul.u32 $0xF7A, s1;
	s8 =	simm.s32 @!p0 $0x1BF5;
	p2 =	por !p2, p0  }
0x20: {  	[sflag:s8] =	ssyncset.s32 @!p0 $0xFFFFF086;
	s6 =	sadd.s32 @!p0 s3, s7;
	s7 =	simm.s32 @!p0 $0x108  }
0x21: {  	s3 =	sadd.s32 s3, s9;
	s6 =	sadd.s32 @!p0 $0x88, s6;
	s7 =	simm.s32 @p2 $0x1082  }
0x22: {  	[simem:s7], [sflag:s8] =	dma.local @!p0 [hbm:s6], $0xF7A  }
0x23: {  	s9 =	sor.u32 $0xD0000000, s2;
	s6 =	simm.s32 $0x108;
	_ =	swait.ge @!p0 [sflag:s8], $0x0  }
0x24: {  	s3 =	sadd.s32 $0x88, s3;
	s6 =	simm.s32 @!p1 $0x1082;
	[sflag:s4] =	ssyncset.s32 $0xFFFFF086  }
0x25: {  	[simem:s6], [sflag:s4] =	dma.local [hbm:s3], $0xF7A  }
0x26: {  	[smem:$0x3F9B] =	sst s1;
	(tag) =	ssettag s2;
	_ =	strace s9  }
0x27: {  	s1 =	sld [smem:$0x3FAB]  }
0x28: {  	s2 =	sld [smem:$0x3FAC]  }
0x29: {  	s4 =	sld [smem:$0x3FAE]  }
0x2a: {  	p0 =	seq.s32 s5, $0x0;
	s5 =	sld [smem:$0x3FAF]  }
0x2b: {  	s6 =	sld [smem:$0x3FB0]  }
0x2c: {  	s7 =	sld [smem:$0x3FB1]  }
0x2d: {  	s3 =	simm.s32 $0x108;
	s8 =	sld [smem:$0x3FB2]  }
0x2e: {  	s3 =	simm.s32 @!p0 $0x1082;
	s9 =	sld [smem:$0x3FB3]  }
0x2f: {  	lr =	sadd.s32 s0, s3;
	s0 =	sld [smem:$0x3FAA]  }
0x30: {  	s3 =	sld [smem:$0x3FAD]  }
0x31: {  	[smem:$0x3FB6] =	sst s10  }
0x32: {  	s10 =	sld [smem:$0x3FB4];
	_ =	sdelay $0x3  }
0x33: {  	p0 =	seq.s32 s10, $0x1;
	s10 =	sld [smem:$0x3FB6];
	_ =	sdelay $0x3  }
0x34: {  	[smem:$0x3FB6] =	sst s10  }
0x35: {  	s10 =	sld [smem:$0x3FB5];
	_ =	sdelay $0x3  }
0x36: {  	p1 =	seq.s32 s10, $0x1;
	s10 =	sld [smem:$0x3FB6];
	_ =	sdelay $0x3  }
0x37: {  	[smem:$0x3FB6] =	sst s10  }
0x38: {  	s10 =	sld [smem:$0x3FB7]  }
0x39: {  	_ = 	snop;
	(pc) =	sbr.ind lr, $3  }
0x3a: {  	_ = 	snop  }
0x3b: {  	_ = 	snop  }
0x3c: {  	p2 =	seq.s32 s10, $0x1;
	s10 =	sld [smem:$0x3FB6]  }
0x3d: {  	_ =	shalt  }
0x3e: {  	_ =	shalt  }
0x3f: {  	_ =	shalt  }
0x40: {  	_ =	shalt  }
0x41: {  	_ =	shalt  }
0x42: {  	_ =	shalt  }
0x43: {  	_ =	shalt  }
0x44: {  	_ =	shalt  }
0x45: {  	_ =	shalt  }
0x46: {  	_ =	shalt  }
0x47: {  	_ =	shalt  }
0x48: {  	_ =	shalt  }
0x49: {  	_ =	shalt  }
0x4a: {  	_ =	shalt  }
0x4b: {  	_ =	shalt  }
0x4c: {  	_ =	shalt  }
0x4d: {  	_ =	shalt  }
0x4e: {  	_ =	shalt  }
0x4f: {  	_ =	shalt  }
0x50: {  	_ =	shalt  }
0x51: {  	_ =	shalt  }
0x52: {  	_ =	shalt  }
0x53: {  	_ =	shalt  }
0x54: {  	_ =	shalt  }
0x55: {  	_ =	shalt  }
0x56: {  	_ =	shalt  }
0x57: {  	_ =	shalt  }
0x58: {  	_ =	shalt  }
0x59: {  	_ =	shalt  }
0x5a: {  	_ =	shalt  }
0x5b: {  	_ =	shalt  }
0x5c: {  	_ =	shalt  }
0x5d: {  	_ =	shalt  }
0x5e: {  	_ =	shalt  }
0x5f: {  	_ =	shalt  }
0x60: {  	_ =	shalt  }
0x61: {  	_ =	shalt  }
0x62: {  	_ =	shalt  }
0x63: {  	_ =	shalt  }
0x64: {  	_ =	shalt  }
0x65: {  	_ =	shalt  }
0x66: {  	_ =	shalt  }
0x67: {  	_ =	shalt  }
0x68: {  	_ =	shalt  }
0x69: {  	_ =	shalt  }
0x6a: {  	_ =	shalt  }
0x6b: {  	_ =	shalt  }
0x6c: {  	_ =	shalt  }
0x6d: {  	_ =	shalt  }
0x6e: {  	_ =	shalt  }
0x6f: {  	_ =	shalt  }
0x70: {  	_ =	shalt  }
0x71: {  	_ =	shalt  }
0x72: {  	_ =	shalt  }
0x73: {  	_ =	shalt  }
0x74: {  	_ =	shalt  }
0x75: {  	_ =	shalt  }
0x76: {  	_ =	shalt  }
0x77: {  	_ =	shalt  }
0x78: {  	_ =	shalt  }
0x79: {  	_ =	shalt  }
0x7a: {  	_ =	shalt  }
0x7b: {  	_ =	shalt  }
0x7c: {  	_ =	shalt  }
0x7d: {  	_ =	shalt  }
0x7e: {  	_ =	shalt  }
0x7f: {  	_ =	shalt  }
0x80: {  	_ =	shalt  }
0x81: {  	_ =	shalt  }
0x82: {  	_ =	shalt  }
0x83: {  	_ =	shalt  }
0x84: {  	_ =	shalt  }
0x85: {  	_ =	shalt  }
0x86: {  	_ =	shalt  }
0x87: {  	_ =	shalt  }
.Lfunc_end0:
.L_simem_size_0:
called_computation_lowered:
.L_overlay_start_0:
0x88: {  	s2 =	sld [smem:$0x3FD9]  }
0x89: {  	s3 =	sld [smem:$0x3FFE];
	_ =	sdelay $0x1  }
0x8a: {  	s1 =	srdreg.scid  }
0x8b: {  	s0 =	sand.u32 $0x1, s1  }
0x8c: {  	s17 =	sshll.u32 s0, $0xA;
	s2 =	sadd.s32 s3, s2  }
0x8d: {  	s2 =	sadd.s32 s2, s17  }
0x8e: {  	[smem:$0x3FC2] =	sst s2  }
0x8f: {  	_ = 	snop  }
0x90: {  	s2 =	sld [smem:$0x3FC9]  }
0x91: {  	s18 =	sld [smem:$0x3FD0];
	(tm) =	ssettm $0x1  }
0x92: {  	s4 =	sld [smem:$0x3FFB];
	_ =	sdelay $0x3  }
0x93: {  	_ =	strace s4  }
0x94: {  	s4 =	sld [smem:$0x3FFC];
	_ =	sdelay $0x3  }
0x95: {  	_ =	strace s4  }
0x96: {  	s4 =	sld [smem:$0x3FFD];
	_ =	sdelay $0x3  }
0x97: {  	_ =	strace s4  }
0x98: {  	_ =	strace $0x8FFFFFFF  }
0x99: {  	s19 =	sld [smem:$0x3FDB];
	_ =	sdelay $0x1  }
0x9a: {  	s5 =	simm.s32 $_scs_section_size  }
0x9b: {  	s6 =	simm.s32 $_size__tile_overlayer_lowered;
	s7 =	simm.s32 $_tile_overlayer_lowered  }
0x9c: {  	s22 =	simm.s32 $0x1BFF;
	s21 =	sshll.u32 s7, $0x1;
	s4 =	sadd.s32 s5, s19  }
0x9d: {  	s8 =	simm.s32 $0x0;
	s20 =	sshll.u32 s6, $0x1;
	s6 =	sadd.s32 s21, s4  }
0x9e: {  	[timem:s8], [sflag:s22] =	dma.local [hbm:s6], s20  }
0x9f: {  	_ =	swait.ge [sflag:s22], s20  }
0xa0: {  	s5 =	ssub.s32 $0x0, s20;
	[sflag:s22] =	ssyncset.done $0x0  }
0xa1: {  	[sflag:s22] =	ssyncadd.s32 s5;
	_ =	sdelay $0x1  }
0xa2: {  	s23 =	simm.s32 $0x1B8B  }
0xa3: {  	_ =	swait.ge [sflag:s23], $0x1  }
0xa4: {  	[sflag:s23] =	ssyncset.done $0x0  }
0xa5: {  	s25 =	simm.s32 $0x1B8E;
	s24 =	sld [smem:$0x3FFE];
	[sflag:s23] =	ssyncadd.s32 $0xFFFFFFFF  }
0xa6: {  	s26 =	simm.s32 $execute0_lowered;
	[smem:$0x3FD2] =	sst s25  }
0xa7: {  	s6 =	sshll.u32 s26, $0x1;
	_ =	strace $0x80000046;
	[dreg:$0x1] =	wrdreg $0xFFFFFFFF  }
0xa8: {  	s28 =	simm.s32 $_size_execute0_lowered;
	s4 =	sadd.s32 s4, s6;
	[dreg:$0x0] =	wrdreg $0x0  }
0xa9: {  	s6 =	sshll.u32 s28, $0x1;
	[dreg:$0x2] =	wrdreg s4  }
0xaa: {  	[dreg:$0x3] =	wrdreg s6  }
0xab: {  	[dreg:$0x4] =	wrdreg $0xC0  }
0xac: {  	_ =	task [dreg:s8], $0x5FFFF  }
0xad: {  	[dreg:$0x1] =	wrdreg $0xFFFFFFFF  }
0xae: {  	[dreg:$0x0] =	wrdreg $0x60  }
0xaf: {  	[dreg:$0x2] =	wrdreg s2  }
0xb0: {  	[dreg:$0x3] =	wrdreg s24  }
0xb1: {  	[dreg:$0x4] =	wrdreg s18  }
0xb2: {  	[dreg:$0x5] =	wrdreg $0x9  }
0xb3: {  	_ =	task.clear_ibuf [dreg:s8], $0x6FFFF;
	_ =	strace $0x90000046  }
0xb4: {  	s29 =	simm.s32 $0x9;
	_ =	strace $0x80000048  }
0xb5: {  	_ =	swait.ge [sflag:s29], $0x1  }
0xb6: {  	[sflag:s29] =	ssyncadd.s32 $0xFFFFFFFF  }
0xb7: {  	_ =	strace $0x90000048  }
0xb8: {  	_ =	sfence  }
0xb9: {  	s30 =	sld [smem:$0x0];
	_ =	sdelay $0x2  }
0xba: {  	s31 =	sshll.u32 s1, $0xD;
	s1 =	sshrl.u32 s1, $0x2  }
0xbb: {  	s3 =	sand.u32 $0x4000, s31;
	s1 =	sadd.s32 s1, s30  }
0xbc: {  	s0 =	sor.u32 s3, s0;
	s1 =	sshll.u32 s1, $0x11  }
0xbd: {  	s0 =	sor.u32 s1, s0  }
0xbe: {  	s0 =	sadd.s32 $0x8F2B, s0  }
0xbf: {  	[sflag:s0] =	ssyncadd.remote.s32 $0x1  }
0xc0: {  	_ =	sfence.sel $0xFFFF  }
0xc1: {  	[dreg:$0x0] =	wrdreg $0xFFFFFFFF;
	(pc) =	sbr.abs _section_cstart, $3  }
0xc2: {  	[dreg:$0x1] =	wrdreg $0xFFFFFFFF  }
0xc3: {  	_ =	task.clear_ibuf [dreg:s8], $0x2FFFF;
	_ =	strace $0x9FFFFFFF  }
0xc4: {  	(tm) =	ssettm $0x7FFFFFFF  }
0xc5: {  	_ =	shalt  }
tec
execute0_lowered:
.L_overlay_start_1:
0x0: {  	(tag) =	ssettag $0x1  }
0x1: {  	s4 =	rddreg [dreg:$0x0]  }
0x2: {  	s1 =	srdreg.scid;
	s5 =	rddreg [dreg:$0x1]  }
0x3: {  	s0 =	stileid.u32;
	s2 =	rddreg [dreg:$0x2];
	s17 =	simm.s32 $0x880  }
0x4: {  	s18 =	simm.s32 $0x1080;
	s19 =	simm.s32 $0x1880;
	s21 =	simm.s32 $0x2080  }
0x5: {  	s22 =	simm.s32 $0x2880;
	s23 =	simm.s32 $0x3080;
	s24 =	simm.s32 $0x3880  }
0x6: {  	s8 =	simm.s32 $0x4080;
	s25 =	simm.s32 $0x4880;
	s1 =	sand.u32 $0x1, s1  }
0x7: {  	s26 =	simm.s32 $0x5080;
	s3 =	sshll.u32 s0, $0x7;
	s6 =	sshll.u32 s1, $0x6  }
0x8: {  	s9 =	simm.s32 $0x80;
	s6 =	sor.u32 s6, s3;
	s3 =	simm.s32 $0x0  }
0x9: {  	s11 =	simm.s32 $0x6080;
	s12 =	simm.s32 $0x6880;
	[smem:$0x7FF] =	sst s3  }
0xa: {  	s13 =	simm.s32 $0x7080;
	_ =	strace $0x80000047;
	[dreg:$0x6] =	wrdreg s17  }
0xb: {  	s14 =	simm.s32 $0x7880;
	s15 =	simm.s32 $0x8080;
	[dreg:$0x7] =	wrdreg s18  }
0xc: {  	s16 =	simm.s32 $0x8880;
	s28 =	simm.s32 $0xE080;
	[dreg:$0x8] =	wrdreg s19  }
0xd: {  	s29 =	simm.s32 $0xE880;
	s30 =	simm.s32 $0xF080;
	[dreg:$0x9] =	wrdreg s21  }
0xe: {  	s31 =	simm.s32 $0xF880;
	s1 =	ssub.s32 $0x2, s1;
	[dreg:$0xa] =	wrdreg s22  }
0xf: {  	s20 =	sshrl.u32 s1, $0x1;
	s7 =	sshrl.u32 s6, $0x3;
	[dreg:$0xb] =	wrdreg s23  }
0x10: {  	s6 =	sshll.u32 s6, $0x7;
	s1 =	ssub.s32 s1, s20;
	[dreg:$0xc] =	wrdreg s24  }
0x11: {  	s20 =	simm.s32 $0xA880;
	s5 =	sadd.s32 s7, s5;
	[dreg:$0xd] =	wrdreg s8  }
0x12: {  	s4 =	sadd.s32 s4, s6;
	s6 =	sadd.s32 $0x300, s2;
	[dreg:$0xe] =	wrdreg s25  }
0x13: {  	s7 =	smax.u32 s1, $0x1;
	s8 =	simm.s32 $0x2;
	[dreg:$0xf] =	wrdreg s26  }
0x14: {  	s17 =	simm.s32 $0x9080;
	s18 =	simm.s32 $0x9880;
	s19 =	simm.s32 $0xA080  }
0x15: {  	s21 =	simm.s32 $0xB080;
	s22 =	simm.s32 $0xB880;
	s23 =	simm.s32 $0xC080  }
0x16: {  	v2 =	vlaneseq.u32;
	s24 =	simm.s32 $0xC880;
	s25 =	simm.s32 $0xD080;
	s26 =	simm.s32 $0xD880  }
0x17: {  	vm0 =	vmmov $0xffff;
	v1 =	vshrl.u32 v2, $0x3;
	s1 =	simm.s32 $0x1;
	s5 =	sadd.s32 $0x1A00, s5;
	[dreg:$0x5] =	wrdreg s4  }
0x18: {  	v0 =	vand.u32 $0x7, v2;
	v2 =	vor.u32 $0x8, v2;
	v1 =	vmul.u32 $0x8, v1;
	s4 =	sadd.s32 $0x100, s2;
	[dreg:$0x4] =	wrdreg s5;
	s5 =	sadd.s32 $0x200, s2  }
.LBB2_1:
0x19: {  	s0 =	rddreg [dreg:$0x4]  }
0x1a: {  	[tilespmem:s3], [sflag:$0x2] =	stream.linear.gather [hbm4b:s0+s3], $0x40, $0x38;
	[tilespmem:$0x10080] =	vst v63  }
0x1b: {  	_ =	swait.ge [sflag:s8], $0x40  }
0x1c: {  	[sflag:s8] =	ssyncset.done $0x0  }
0x1d: {  	s10 =	rddreg [dreg:$0x5];
	[sflag:s8] =	ssyncadd.s32 $0xFFFFFFC0  }
0x1e: {  	[tilespmem:s9], [sflag:$0x2] =	stream.linear.gather [hbm4b:s10+s3], $0x10000, $0x38;
	[tilespmem:$0x10080] =	vst v63  }
0x1f: {  	_ =	swait.ge [sflag:s8], $0x10000  }
0x20: {  	[sflag:s8] =	ssyncset.done $0x0  }
0x21: {  	[sflag:s8] =	ssyncadd.s32 $0xFFFF0000  }
0x22: {  	v3 =	vld [tilespmem:$0x0];
	_ =	sdelay $0x4  }
0x23: {  	v4 =	vshll.u32 v3, $0x3  }
0x24: {  	v3 =	vand.u32 $0x7, v3;
	v4 =	vand.u32 $0xFFFFFFC0, v4  }
0x25: {  	v3 =	vor.u32 v3, v4  }
0x26: {  	v4 =	vperm.xlane v3, v0;
	_ =	sdelay $0x1  }
0x27: {  	v4 =	vadd.s32 v1, v4;
	_ =	sdelay $0x4  }
0x28: {  	[hbm4b:s2+s3] =	stream.indirect_vreg.scatter [tilespmem:s9], [sflag:$0x1], $0x80, v4, vm0, $0xb8;
	[tilespmem:$0x10080] =	vst v63  }
0x29: {  	s0 =	rddreg [dreg:$0x6];
	v3 =	vperm.xlane v3, v2  }
0x2a: {  	[hbm4b:s4+s3] =	stream.indirect_vreg.scatter [tilespmem:s0], [sflag:$0x1], $0x80, v4, vm0, $0xb8;
	[tilespmem:$0x10080] =	vst v63  }
0x2b: {  	s10 =	rddreg [dreg:$0x7];
	v3 =	vadd.s32 v1, v3  }
0x2c: {  	[hbm4b:s5+s3] =	stream.indirect_vreg.scatter [tilespmem:s10], [sflag:$0x1], $0x80, v4, vm0, $0xb8;
	[tilespmem:$0x10080] =	vst v63  }
0x2d: {  	s0 =	rddreg [dreg:$0x8]  }
0x2e: {  	[hbm4b:s6+s3] =	stream.indirect_vreg.scatter [tilespmem:s0], [sflag:$0x1], $0x80, v4, vm0, $0xb8;
	[tilespmem:$0x10080] =	vst v63  }
0x2f: {  	s10 =	rddreg [dreg:$0x9]  }
0x30: {  	[hbm4b:s2+s3] =	stream.indirect_vreg.scatter [tilespmem:s10], [sflag:$0x1], $0x80, v3, vm0, $0xb8;
	[tilespmem:$0x10080] =	vst v63  }
0x31: {  	s0 =	rddreg [dreg:$0xa]  }
0x32: {  	[hbm4b:s4+s3] =	stream.indirect_vreg.scatter [tilespmem:s0], [sflag:$0x1], $0x80, v3, vm0, $0xb8;
	[tilespmem:$0x10080] =	vst v63  }
0x33: {  	s10 =	rddreg [dreg:$0xb]  }
0x34: {  	[hbm4b:s5+s3] =	stream.indirect_vreg.scatter [tilespmem:s10], [sflag:$0x1], $0x80, v3, vm0, $0xb8;
	[tilespmem:$0x10080] =	vst v63  }
0x35: {  	s0 =	rddreg [dreg:$0xc]  }
0x36: {  	[hbm4b:s6+s3] =	stream.indirect_vreg.scatter [tilespmem:s0], [sflag:$0x1], $0x80, v3, vm0, $0xb8;
	[tilespmem:$0x10080] =	vst v63  }
0x37: {  	v3 =	vld [tilespmem:$0x10];
	_ =	sdelay $0x4  }
0x38: {  	v61 =	vshll.u32 v3, $0x3  }
0x39: {  	v3 =	vand.u32 $0x7, v3;
	v4 =	vand.u32 $0xFFFFFFC0, v61  }
0x3a: {  	v3 =	vor.u32 v3, v4  }
0x3b: {  	v4 =	vperm.xlane v3, v0;
	_ =	sdelay $0x1  }
0x3c: {  	v4 =	vadd.s32 v1, v4;
	_ =	sdelay $0x3  }
0x3d: {  	s0 =	rddreg [dreg:$0xd]  }
0x3e: {  	[hbm4b:s2+s3] =	stream.indirect_vreg.scatter [tilespmem:s0], [sflag:$0x1], $0x80, v4, vm0, $0xb8;
	[tilespmem:$0x10080] =	vst v63  }
0x3f: {  	s10 =	rddreg [dreg:$0xe];
	v3 =	vperm.xlane v3, v2  }
0x40: {  	[hbm4b:s4+s3] =	stream.indirect_vreg.scatter [tilespmem:s10], [sflag:$0x1], $0x80, v4, vm0, $0xb8;
	[tilespmem:$0x10080] =	vst v63  }
0x41: {  	v3 =	vadd.s32 v1, v3;
	s0 =	rddreg [dreg:$0xf]  }
0x42: {  	[hbm4b:s5+s3] =	stream.indirect_vreg.scatter [tilespmem:s0], [sflag:$0x1], $0x80, v4, vm0, $0xb8;
	[tilespmem:$0x10080] =	vst v63  }
0x43: {  	s10 =	simm.s32 $0x5880  }
0x44: {  	[hbm4b:s6+s3] =	stream.indirect_vreg.scatter [tilespmem:s10], [sflag:$0x1], $0x80, v4, vm0, $0xb8;
	[tilespmem:$0x10080] =	vst v63  }
0x45: {  	_ = 	snop  }
0x46: {  	[hbm4b:s2+s3] =	stream.indirect_vreg.scatter [tilespmem:s11], [sflag:$0x1], $0x80, v3, vm0, $0xb8;
	[tilespmem:$0x10080] =	vst v63  }
0x47: {  	_ = 	snop  }
0x48: {  	[hbm4b:s4+s3] =	stream.indirect_vreg.scatter [tilespmem:s12], [sflag:$0x1], $0x80, v3, vm0, $0xb8;
	[tilespmem:$0x10080] =	vst v63  }
0x49: {  	_ = 	snop  }
0x4a: {  	[hbm4b:s5+s3] =	stream.indirect_vreg.scatter [tilespmem:s13], [sflag:$0x1], $0x80, v3, vm0, $0xb8;
	[tilespmem:$0x10080] =	vst v63  }
0x4b: {  	_ = 	snop  }
0x4c: {  	[hbm4b:s6+s3] =	stream.indirect_vreg.scatter [tilespmem:s14], [sflag:$0x1], $0x80, v3, vm0, $0xb8;
	[tilespmem:$0x10080] =	vst v63  }
0x4d: {  	v3 =	vld [tilespmem:$0x20];
	_ =	sdelay $0x4  }
0x4e: {  	v62 =	vshll.u32 v3, $0x3  }
0x4f: {  	v3 =	vand.u32 $0x7, v3;
	v4 =	vand.u32 $0xFFFFFFC0, v62  }
0x50: {  	v3 =	vor.u32 v3, v4  }
0x51: {  	v4 =	vperm.xlane v3, v0;
	_ =	sdelay $0x1  }
0x52: {  	v4 =	vadd.s32 v1, v4;
	_ =	sdelay $0x4  }
0x53: {  	[hbm4b:s2+s3] =	stream.indirect_vreg.scatter [tilespmem:s15], [sflag:$0x1], $0x80, v4, vm0, $0xb8;
	[tilespmem:$0x10080] =	vst v63  }
0x54: {  	v3 =	vperm.xlane v3, v2  }
0x55: {  	[hbm4b:s4+s3] =	stream.indirect_vreg.scatter [tilespmem:s16], [sflag:$0x1], $0x80, v4, vm0, $0xb8;
	[tilespmem:$0x10080] =	vst v63  }
0x56: {  	v3 =	vadd.s32 v1, v3  }
0x57: {  	[hbm4b:s5+s3] =	stream.indirect_vreg.scatter [tilespmem:s17], [sflag:$0x1], $0x80, v4, vm0, $0xb8;
	[tilespmem:$0x10080] =	vst v63  }
0x58: {  	_ = 	snop  }
0x59: {  	[hbm4b:s6+s3] =	stream.indirect_vreg.scatter [tilespmem:s18], [sflag:$0x1], $0x80, v4, vm0, $0xb8;
	[tilespmem:$0x10080] =	vst v63  }
0x5a: {  	_ = 	snop  }
0x5b: {  	[hbm4b:s2+s3] =	stream.indirect_vreg.scatter [tilespmem:s19], [sflag:$0x1], $0x80, v3, vm0, $0xb8;
	[tilespmem:$0x10080] =	vst v63  }
0x5c: {  	_ = 	snop  }
0x5d: {  	[hbm4b:s4+s3] =	stream.indirect_vreg.scatter [tilespmem:s20], [sflag:$0x1], $0x80, v3, vm0, $0xb8;
	[tilespmem:$0x10080] =	vst v63  }
0x5e: {  	_ = 	snop  }
0x5f: {  	[hbm4b:s5+s3] =	stream.indirect_vreg.scatter [tilespmem:s21], [sflag:$0x1], $0x80, v3, vm0, $0xb8;
	[tilespmem:$0x10080] =	vst v63  }
0x60: {  	_ = 	snop  }
0x61: {  	[hbm4b:s6+s3] =	stream.indirect_vreg.scatter [tilespmem:s22], [sflag:$0x1], $0x80, v3, vm0, $0xb8;
	[tilespmem:$0x10080] =	vst v63  }
0x62: {  	v3 =	vld [tilespmem:$0x30];
	_ =	sdelay $0x4  }
0x63: {  	v63 =	vshll.u32 v3, $0x3  }
0x64: {  	v3 =	vand.u32 $0x7, v3;
	v4 =	vand.u32 $0xFFFFFFC0, v63  }
0x65: {  	v3 =	vor.u32 v3, v4  }
0x66: {  	v4 =	vperm.xlane v3, v0;
	_ =	sdelay $0x1  }
0x67: {  	v4 =	vadd.s32 v1, v4;
	_ =	sdelay $0x4  }
0x68: {  	[hbm4b:s2+s3] =	stream.indirect_vreg.scatter [tilespmem:s23], [sflag:$0x1], $0x80, v4, vm0, $0xb8;
	[tilespmem:$0x10080] =	vst v63  }
0x69: {  	v3 =	vperm.xlane v3, v2  }
0x6a: {  	[hbm4b:s4+s3] =	stream.indirect_vreg.scatter [tilespmem:s24], [sflag:$0x1], $0x80, v4, vm0, $0xb8;
	[tilespmem:$0x10080] =	vst v63  }
0x6b: {  	v3 =	vadd.s32 v1, v3  }
0x6c: {  	[hbm4b:s5+s3] =	stream.indirect_vreg.scatter [tilespmem:s25], [sflag:$0x1], $0x80, v4, vm0, $0xb8;
	[tilespmem:$0x10080] =	vst v63  }
0x6d: {  	_ = 	snop  }
0x6e: {  	[hbm4b:s6+s3] =	stream.indirect_vreg.scatter [tilespmem:s26], [sflag:$0x1], $0x80, v4, vm0, $0xb8;
	[tilespmem:$0x10080] =	vst v63  }
0x6f: {  	_ = 	snop  }
0x70: {  	[hbm4b:s2+s3] =	stream.indirect_vreg.scatter [tilespmem:s28], [sflag:$0x1], $0x80, v3, vm0, $0xb8;
	[tilespmem:$0x10080] =	vst v63  }
0x71: {  	_ = 	snop  }
0x72: {  	[hbm4b:s4+s3] =	stream.indirect_vreg.scatter [tilespmem:s29], [sflag:$0x1], $0x80, v3, vm0, $0xb8;
	[tilespmem:$0x10080] =	vst v63  }
0x73: {  	p0 =	sne.s32 s7, $0x1  }
0x74: {  	[hbm4b:s5+s3] =	stream.indirect_vreg.scatter [tilespmem:s30], [sflag:$0x1], $0x80, v3, vm0, $0xb8;
	[tilespmem:$0x10080] =	vst v63  }
.Ltmp0:
0x75: {  	_ = 	snop;
	(pc) =	sbr.rel @p0 .LBB2_1-.Ltmp0, $4  }
0x76: {  	[hbm4b:s6+s3] =	stream.indirect_vreg.scatter [tilespmem:s31], [sflag:$0x1], $0x80, v3, vm0, $0xb8;
	[tilespmem:$0x10080] =	vst v63  }
0x77: {  	_ =	swait.ge [sflag:s1], $0x10000  }
0x78: {  	[sflag:s1] =	ssyncset.done $0x0  }
0x79: {  	s7 =	sadd.s32 $0xFFFFFFFF, s7;
	[sflag:s1] =	ssyncadd.s32 $0xFFFF0000  }
0x7a: {  	_ =	sfence.sel $0x180000  }
0x7b: {  	[bflag:$0x0] =	sbarrier.arrive $0xFFFF  }
0x7c: {  	_ =	strace $0x90000047  }
0x7d: {  	s0 =	stileid.u32;
	[bflag:$0x2] =	sbarrier.arrive $0xFFFF  }
0x7e: {  	p0 =	sne.s32 s0, $0x0;
	s0 =	rddreg [dreg:$0x3]  }
0x7f: {  	s0 =	sadd.s32 @!p0 $0x100000, s0  }
0x80: {  	[sflag:s0] =	ssyncadd.tile.s32 @!p0 $0x1;
	_ =	shalt  }
.Lfunc_end2:
_tile_overlayer_lowered:
.L_overlay_start_2:
0x81: {  	(tag) =	ssettag $0x2  }
0x82: {  	s0 =	rddreg [dreg:$0x0];
	s2 =	stileid.u32  }
0x83: {  	s1 =	rddreg [dreg:$0x1];
	p0 =	sne.s32 s2, $0x0  }
0x84: {  	s3 =	rddreg [dreg:$0x2];
	[bflag:$0x3] =	sbarrier.arrive $0xFFFF;
	s2 =	simm.s32 @!p0 $0x1C02  }
0x85: {  	[timem:s3], [sflag:s2] =	dma.local @!p0 [hbm:s0], s1  }
0x86: {  	s0 =	simm.s32 @!p0 $0x2  }
0x87: {  	_ =	swait.ge @!p0 [sflag:s0], s1  }
0x88: {  	s1 =	ssub.s32 @!p0 $0x0, s1;
	[sflag:s0] =	ssyncset.done @!p0 $0x0  }
0x89: {  	[sflag:s0] =	ssyncadd.s32 @!p0 s1  }
0x8a: {  	[bflag:$0x3] =	sbarrier.arrive $0xFFFF  }
0x8b: {  	_ =	shalt  }

</sc_bundles>
